<compile_context>
chip_gen: v7x
topology: tpu7x:2x2x1
jax: 0.10.2.dev20260603
libtpu: 0.0.44.dev20260713+nightly
codegen_flags: <defaults>
</compile_context>

<pallas_src>
import functools

import jax
import jax.numpy as jnp
from jax import lax
from jax.experimental import pallas as pl
from jax.experimental.pallas import tpu as pltpu
from jax.experimental.pallas import tpu_sc as plsc

_NC = 2
_NS = 16
_NW = _NC * _NS
_LANES = 16


def kernel(in_idx, tok_table, pos_table):
    B, S = in_idx.shape
    V, E = tok_table.shape
    PW = S // _NW
    CH = 16
    CPB = PW // CH
    NCH = B * CPB
    NBUF = 4
    PF = 2
    EL = E // _LANES
    assert S % _NW == 0 and PW % CH == 0 and E % _LANES == 0

    if in_idx.dtype != jnp.int32:
        in_idx = in_idx.astype(jnp.int32)

    mesh = plsc.VectorSubcoreMesh(core_axis_name="c", subcore_axis_name="s")

    @functools.partial(
        pl.kernel,
        out_type=jax.ShapeDtypeStruct((B, S, E), jnp.float32),
        mesh=mesh,
        scratch_types=(
            [pltpu.VMEM((B, PW), jnp.int32),
             pltpu.VMEM((PW, E), jnp.float32)]
            + [pltpu.VMEM((NBUF, CH, E), jnp.float32),
               pltpu.SemaphoreType.DMA,
               pltpu.SemaphoreType.DMA((NBUF,)),
               pltpu.SemaphoreType.DMA((NBUF,))]
        ),
    )
    def emb_kernel(idx_hbm, tok_hbm, pos_hbm, out_hbm, idx_v, pos_v,
                   tok_v, psem, gsem, osem):
        wid = lax.axis_index("s") * _NC + lax.axis_index("c")
        p0 = wid * PW

        idx_cps = [
            pltpu.async_copy(idx_hbm.at[b, pl.ds(p0, PW)], idx_v.at[b], psem)
            for b in range(B)]
        pos_cp = pltpu.async_copy(pos_hbm.at[pl.ds(p0, PW)], pos_v, psem)

        def gather_copy(g):
            if isinstance(g, int):
                bg, pc, buf = g // CPB, g % CPB, g % NBUF
            else:
                bg, pc, buf = lax.div(g, CPB), lax.rem(g, CPB), lax.rem(g, NBUF)
            return pltpu.make_async_copy(
                tok_hbm.at[idx_v.at[bg, pl.ds(pc * CH, CH)]],
                tok_v.at[buf], gsem.at[buf])

        def out_copy(g):
            if isinstance(g, int):
                bg, pc, buf = g // CPB, g % CPB, g % NBUF
            else:
                bg, pc, buf = lax.div(g, CPB), lax.rem(g, CPB), lax.rem(g, NBUF)
            return pltpu.make_async_copy(
                tok_v.at[buf], out_hbm.at[bg, pl.ds(p0 + pc * CH, CH)],
                osem.at[buf])

        assert PF <= CPB
        idx_cps[0].wait()
        for g in range(PF):
            gather_copy(g).start()
        for cp in idx_cps[1:]:
            cp.wait()
        pos_cp.wait()

        def chunk_body(g, carry):
            g2 = g + PF

            @pl.when(g2 < NCH)
            def _issue_ahead():
                @pl.when(g2 >= NBUF)
                def _drain_writeback():
                    out_copy(g2 - NBUF).wait()

                gather_copy(g2).start()

            gather_copy(g).wait()
            prow = lax.rem(g, CPB) * CH
            buf = lax.rem(g, NBUF)

            @plsc.parallel_loop(0, CH)
            def _add_row(r):
                for j in range(EL):
                    sl = pl.ds(j * _LANES, _LANES)
                    plsc.addupdate(tok_v.at[buf, r, sl], pos_v[prow + r, sl])

            out_copy(g).start()
            return carry

        lax.fori_loop(0, NCH, chunk_body, 0)
        for g in range(NCH - NBUF, NCH):
            out_copy(g).wait()

    return emb_kernel(in_idx, tok_table, pos_table)

# --- scband reference (transcript-rebuilt; emitter-appended) ---
"""Pipeline reference for scband-dummy-gptmodel-86328842650404 (READ-ONLY COPY).

The authoritative reference and input builder live on the scoring server;
editing this copy changes nothing except your own understanding.
"""

import jax, jax.numpy as jnp
import numpy as np

VOCAB = 50257
EMD = 768
CTX = 2048
BATCH = 4
SEQ = 2048


def setup_inputs(seed: int = 0) -> dict:
    key = jax.random.key(seed)
    k1, k2, k3 = jax.random.split(key, 3)
    in_idx = jax.random.randint(k1, (BATCH, SEQ), 0, VOCAB, dtype=jnp.int64 if jax.config.read('jax_enable_x64') else jnp.int32)
    tok_table = jax.random.normal(k2, (VOCAB, EMD), dtype=jnp.float32) * 0.02
    pos_table = jax.random.normal(k3, (CTX, EMD), dtype=jnp.float32) * 0.02
    return {"in_idx": in_idx, "tok_table": tok_table, "pos_table": pos_table}


def reference(in_idx, tok_table, pos_table):
    # tok_emd(in_idx): embedding gather
    tok = jnp.take(tok_table, in_idx, axis=0)            # [B, S, E]
    # pos_emd(arange(seq_len)): positional embedding gather
    seq_len = in_idx.shape[1]
    pos = jnp.take(pos_table, jnp.arange(seq_len), axis=0)  # [S, E]
    x = tok + pos[None, :, :]
    # drop_emd: Dropout in eval mode is identity
    return x

if __name__ == "__main__":
    import jax
    _d = setup_inputs()
    print(jax.jit(kernel)(*tuple(_d.values())))

</pallas_src>

<mosaic_0001>
#map = affine_map<(d0, d1) -> (0, 0)>
#map1 = affine_map<(d0, d1) -> (0, 0, 0)>
module attributes {stable_mosaic.version = 14 : i64} {
  func.func @emb_kernel(%arg0: i32, %arg1: i32, %arg2: memref<4x2048xi32, #tpu.memory_space<hbm>>, %arg3: memref<50257x768xf32, #tpu.memory_space<hbm>>, %arg4: memref<2048x768xf32, #tpu.memory_space<hbm>>, %arg5: memref<4x2048x768xf32, #tpu.memory_space<hbm>>, %arg6: memref<4x64xi32, #tpu.memory_space<vmem>>, %arg7: memref<64x768xf32, #tpu.memory_space<vmem>>, %arg8: memref<4x16x768xf32, #tpu.memory_space<vmem>>, %arg9: memref<!tpu.dma_semaphore, #tpu.memory_space<semaphore_mem>>, %arg10: memref<4x!tpu.dma_semaphore, #tpu.memory_space<semaphore_mem>>, %arg11: memref<4x!tpu.dma_semaphore, #tpu.memory_space<semaphore_mem>>) attributes {dimension_semantics = [#tpu.dimension_semantics<core_parallel>, #tpu.dimension_semantics<subcore_parallel>], iteration_bounds = array<i64: 2, 16>, scalar_prefetch = 0 : i64, scratch_operands = 6 : i64, tpu.core_type = #tpu.core_type<sc_vector_subcore>, window_params = [{transform_indices = #map}, {transform_indices = #map}, {transform_indices = #map}, {transform_indices = #map1}]} {
    %mul3A = arith.constant 2 : i32
    %mul3A_0 = arith.muli %arg1, %mul3A : i32
    %add3A = arith.addi %mul3A_0, %arg0 : i32
    %mul3A_1 = arith.constant 64 : i32
    %mul3A_2 = arith.muli %add3A, %mul3A_1 : i32
    %dma_start3A = arith.constant 0 : i32
    %dma_start3A_3 = arith.constant 0 : i32
    %dma_start3A_4 = arith.constant 0 : i32
    %dma_start3A_5 = tpu.memref_slice %arg6[%dma_start3A_3, %dma_start3A_4] : memref<4x64xi32, #tpu.memory_space<vmem>> -> memref<1x64xi32, #tpu.memory_space<vmem>>
    %dma_start3A_6 = tpu.memref_squeeze %dma_start3A_5 : memref<1x64xi32, #tpu.memory_space<vmem>> -> memref<64xi32, #tpu.memory_space<vmem>>
    %dma_start3A_7 = tpu.memref_slice %arg2[%dma_start3A, %mul3A_2] : memref<4x2048xi32, #tpu.memory_space<hbm>> -> memref<1x64xi32, #tpu.memory_space<hbm>>
    %dma_start3A_8 = tpu.memref_squeeze %dma_start3A_7 : memref<1x64xi32, #tpu.memory_space<hbm>> -> memref<64xi32, #tpu.memory_space<hbm>>
    %dma_start3A_9 = arith.constant 0 : i32
    %dma_start3A_10 = tpu.memref_slice %arg6[%dma_start3A_3, %dma_start3A_9] : memref<4x64xi32, #tpu.memory_space<vmem>> -> memref<1x64xi32, #tpu.memory_space<vmem>>
    %dma_start3A_11 = tpu.memref_squeeze %dma_start3A_10 : memref<1x64xi32, #tpu.memory_space<vmem>> -> memref<64xi32, #tpu.memory_space<vmem>>
    %dma_start3A_12 = tpu.memref_slice %arg2[%dma_start3A, %mul3A_2] : memref<4x2048xi32, #tpu.memory_space<hbm>> -> memref<1x64xi32, #tpu.memory_space<hbm>>
    %dma_start3A_13 = tpu.memref_squeeze %dma_start3A_12 : memref<1x64xi32, #tpu.memory_space<hbm>> -> memref<64xi32, #tpu.memory_space<hbm>>
    tpu.enqueue_dma source(%dma_start3A_13 : memref<64xi32, #tpu.memory_space<hbm>>) target(%dma_start3A_11 : memref<64xi32, #tpu.memory_space<vmem>>) target_semaphore(%arg9 : memref<!tpu.dma_semaphore, #tpu.memory_space<semaphore_mem>>)
    %dma_start3A_14 = arith.constant 1 : i32
    %dma_start3A_15 = arith.constant 1 : i32
    %dma_start3A_16 = arith.constant 0 : i32
    %dma_start3A_17 = tpu.memref_slice %arg6[%dma_start3A_15, %dma_start3A_16] : memref<4x64xi32, #tpu.memory_space<vmem>> -> memref<1x64xi32, #tpu.memory_space<vmem>>
    %dma_start3A_18 = tpu.memref_squeeze %dma_start3A_17 : memref<1x64xi32, #tpu.memory_space<vmem>> -> memref<64xi32, #tpu.memory_space<vmem>>
    %dma_start3A_19 = tpu.memref_slice %arg2[%dma_start3A_14, %mul3A_2] : memref<4x2048xi32, #tpu.memory_space<hbm>> -> memref<1x64xi32, #tpu.memory_space<hbm>>
    %dma_start3A_20 = tpu.memref_squeeze %dma_start3A_19 : memref<1x64xi32, #tpu.memory_space<hbm>> -> memref<64xi32, #tpu.memory_space<hbm>>
    %dma_start3A_21 = arith.constant 0 : i32
    %dma_start3A_22 = tpu.memref_slice %arg6[%dma_start3A_15, %dma_start3A_21] : memref<4x64xi32, #tpu.memory_space<vmem>> -> memref<1x64xi32, #tpu.memory_space<vmem>>
    %dma_start3A_23 = tpu.memref_squeeze %dma_start3A_22 : memref<1x64xi32, #tpu.memory_space<vmem>> -> memref<64xi32, #tpu.memory_space<vmem>>
    %dma_start3A_24 = tpu.memref_slice %arg2[%dma_start3A_14, %mul3A_2] : memref<4x2048xi32, #tpu.memory_space<hbm>> -> memref<1x64xi32, #tpu.memory_space<hbm>>
    %dma_start3A_25 = tpu.memref_squeeze %dma_start3A_24 : memref<1x64xi32, #tpu.memory_space<hbm>> -> memref<64xi32, #tpu.memory_space<hbm>>
    tpu.enqueue_dma source(%dma_start3A_25 : memref<64xi32, #tpu.memory_space<hbm>>) target(%dma_start3A_23 : memref<64xi32, #tpu.memory_space<vmem>>) target_semaphore(%arg9 : memref<!tpu.dma_semaphore, #tpu.memory_space<semaphore_mem>>)
    %dma_start3A_26 = arith.constant 2 : i32
    %dma_start3A_27 = arith.constant 2 : i32
    %dma_start3A_28 = arith.constant 0 : i32
    %dma_start3A_29 = tpu.memref_slice %arg6[%dma_start3A_27, %dma_start3A_28] : memref<4x64xi32, #tpu.memory_space<vmem>> -> memref<1x64xi32, #tpu.memory_space<vmem>>
    %dma_start3A_30 = tpu.memref_squeeze %dma_start3A_29 : memref<1x64xi32, #tpu.memory_space<vmem>> -> memref<64xi32, #tpu.memory_space<vmem>>
    %dma_start3A_31 = tpu.memref_slice %arg2[%dma_start3A_26, %mul3A_2] : memref<4x2048xi32, #tpu.memory_space<hbm>> -> memref<1x64xi32, #tpu.memory_space<hbm>>
    %dma_start3A_32 = tpu.memref_squeeze %dma_start3A_31 : memref<1x64xi32, #tpu.memory_space<hbm>> -> memref<64xi32, #tpu.memory_space<hbm>>
    %dma_start3A_33 = arith.constant 0 : i32
    %dma_start3A_34 = tpu.memref_slice %arg6[%dma_start3A_27, %dma_start3A_33] : memref<4x64xi32, #tpu.memory_space<vmem>> -> memref<1x64xi32, #tpu.memory_space<vmem>>
    %dma_start3A_35 = tpu.memref_squeeze %dma_start3A_34 : memref<1x64xi32, #tpu.memory_space<vmem>> -> memref<64xi32, #tpu.memory_space<vmem>>
    %dma_start3A_36 = tpu.memref_slice %arg2[%dma_start3A_26, %mul3A_2] : memref<4x2048xi32, #tpu.memory_space<hbm>> -> memref<1x64xi32, #tpu.memory_space<hbm>>
    %dma_start3A_37 = tpu.memref_squeeze %dma_start3A_36 : memref<1x64xi32, #tpu.memory_space<hbm>> -> memref<64xi32, #tpu.memory_space<hbm>>
    tpu.enqueue_dma source(%dma_start3A_37 : memref<64xi32, #tpu.memory_space<hbm>>) target(%dma_start3A_35 : memref<64xi32, #tpu.memory_space<vmem>>) target_semaphore(%arg9 : memref<!tpu.dma_semaphore, #tpu.memory_space<semaphore_mem>>)
    %dma_start3A_38 = arith.constant 3 : i32
    %dma_start3A_39 = arith.constant 3 : i32
    %dma_start3A_40 = arith.constant 0 : i32
    %dma_start3A_41 = tpu.memref_slice %arg6[%dma_start3A_39, %dma_start3A_40] : memref<4x64xi32, #tpu.memory_space<vmem>> -> memref<1x64xi32, #tpu.memory_space<vmem>>
    %dma_start3A_42 = tpu.memref_squeeze %dma_start3A_41 : memref<1x64xi32, #tpu.memory_space<vmem>> -> memref<64xi32, #tpu.memory_space<vmem>>
    %dma_start3A_43 = tpu.memref_slice %arg2[%dma_start3A_38, %mul3A_2] : memref<4x2048xi32, #tpu.memory_space<hbm>> -> memref<1x64xi32, #tpu.memory_space<hbm>>
    %dma_start3A_44 = tpu.memref_squeeze %dma_start3A_43 : memref<1x64xi32, #tpu.memory_space<hbm>> -> memref<64xi32, #tpu.memory_space<hbm>>
    %dma_start3A_45 = arith.constant 0 : i32
    %dma_start3A_46 = tpu.memref_slice %arg6[%dma_start3A_39, %dma_start3A_45] : memref<4x64xi32, #tpu.memory_space<vmem>> -> memref<1x64xi32, #tpu.memory_space<vmem>>
    %dma_start3A_47 = tpu.memref_squeeze %dma_start3A_46 : memref<1x64xi32, #tpu.memory_space<vmem>> -> memref<64xi32, #tpu.memory_space<vmem>>
    %dma_start3A_48 = tpu.memref_slice %arg2[%dma_start3A_38, %mul3A_2] : memref<4x2048xi32, #tpu.memory_space<hbm>> -> memref<1x64xi32, #tpu.memory_space<hbm>>
    %dma_start3A_49 = tpu.memref_squeeze %dma_start3A_48 : memref<1x64xi32, #tpu.memory_space<hbm>> -> memref<64xi32, #tpu.memory_space<hbm>>
    tpu.enqueue_dma source(%dma_start3A_49 : memref<64xi32, #tpu.memory_space<hbm>>) target(%dma_start3A_47 : memref<64xi32, #tpu.memory_space<vmem>>) target_semaphore(%arg9 : memref<!tpu.dma_semaphore, #tpu.memory_space<semaphore_mem>>)
    %dma_start3A_50 = arith.constant 0 : i32
    %dma_start3A_51 = tpu.memref_slice %arg4[%mul3A_2, %dma_start3A_50] : memref<2048x768xf32, #tpu.memory_space<hbm>> -> memref<64x768xf32, #tpu.memory_space<hbm>>
    %dma_start3A_52 = arith.constant 0 : i32
    %dma_start3A_53 = tpu.memref_slice %arg4[%mul3A_2, %dma_start3A_52] : memref<2048x768xf32, #tpu.memory_space<hbm>> -> memref<64x768xf32, #tpu.memory_space<hbm>>
    tpu.enqueue_dma source(%dma_start3A_53 : memref<64x768xf32, #tpu.memory_space<hbm>>) target(%arg7 : memref<64x768xf32, #tpu.memory_space<vmem>>) target_semaphore(%arg9 : memref<!tpu.dma_semaphore, #tpu.memory_space<semaphore_mem>>)
    %dma_wait3A = arith.constant 0 : i32
    %dma_wait3A_54 = arith.constant 0 : i32
    %dma_wait3A_55 = arith.constant 0 : i32
    %dma_wait3A_56 = tpu.memref_slice %arg6[%dma_wait3A_54, %dma_wait3A_55] : memref<4x64xi32, #tpu.memory_space<vmem>> -> memref<1x64xi32, #tpu.memory_space<vmem>>
    %dma_wait3A_57 = tpu.memref_squeeze %dma_wait3A_56 : memref<1x64xi32, #tpu.memory_space<vmem>> -> memref<64xi32, #tpu.memory_space<vmem>>
    %dma_wait3A_58 = tpu.memref_slice %arg2[%dma_wait3A, %mul3A_2] : memref<4x2048xi32, #tpu.memory_space<hbm>> -> memref<1x64xi32, #tpu.memory_space<hbm>>
    %dma_wait3A_59 = tpu.memref_squeeze %dma_wait3A_58 : memref<1x64xi32, #tpu.memory_space<hbm>> -> memref<64xi32, #tpu.memory_space<hbm>>
    %dma_wait3A_60 = arith.constant 0 : i32
    %dma_wait3A_61 = tpu.memref_slice %arg6[%dma_wait3A_54, %dma_wait3A_60] : memref<4x64xi32, #tpu.memory_space<vmem>> -> memref<1x64xi32, #tpu.memory_space<vmem>>
    %dma_wait3A_62 = tpu.memref_squeeze %dma_wait3A_61 : memref<1x64xi32, #tpu.memory_space<vmem>> -> memref<64xi32, #tpu.memory_space<vmem>>
    %dma_wait3A_63 = tpu.memref_slice %arg2[%dma_wait3A, %mul3A_2] : memref<4x2048xi32, #tpu.memory_space<hbm>> -> memref<1x64xi32, #tpu.memory_space<hbm>>
    %dma_wait3A_64 = tpu.memref_squeeze %dma_wait3A_63 : memref<1x64xi32, #tpu.memory_space<hbm>> -> memref<64xi32, #tpu.memory_space<hbm>>
    tpu.wait_dma2 semaphore(%arg9 : memref<!tpu.dma_semaphore, #tpu.memory_space<semaphore_mem>>) src(%dma_wait3A_64 : memref<64xi32, #tpu.memory_space<hbm>>) dst(%dma_wait3A_62 : memref<64xi32, #tpu.memory_space<vmem>>)
    %dma_start3A_65 = arith.constant 0 : i32
    %dma_start3A_66 = arith.constant 0 : i32
    %dma_start3A_67 = arith.constant 0 : i32
    %dma_start3A_68 = arith.constant 0 : i32
    %dma_start3A_69 = arith.constant 0 : i32
    %dma_start3A_70 = tpu.memref_slice %arg8[%dma_start3A_66, %dma_start3A_68, %dma_start3A_69] : memref<4x16x768xf32, #tpu.memory_space<vmem>> -> memref<1x16x768xf32, #tpu.memory_space<vmem>>
    %dma_start3A_71 = tpu.memref_squeeze %dma_start3A_70 : memref<1x16x768xf32, #tpu.memory_space<vmem>> -> memref<16x768xf32, #tpu.memory_space<vmem>>
    %dma_start3A_72 = arith.constant 0 : i32
    %dma_start3A_73 = tpu.memref_slice %arg6[%dma_start3A_65, %dma_start3A_72] : memref<4x64xi32, #tpu.memory_space<vmem>> -> memref<1x16xi32, #tpu.memory_space<vmem>>
    %dma_start3A_74 = tpu.memref_squeeze %dma_start3A_73 : memref<1x16xi32, #tpu.memory_space<vmem>> -> memref<16xi32, #tpu.memory_space<vmem>>
    %dma_start3A_75 = arith.constant 0 : i32
    %dma_start3A_76 = arith.constant 0 : i32
    %dma_start3A_77 = tpu.memref_slice %arg3[%dma_start3A_75, %dma_start3A_76] : memref<50257x768xf32, #tpu.memory_space<hbm>> -> memref<50257x768xf32, #tpu.memory_space<hbm>>
    %dma_start3A_78 = tpu.memref_slice %arg10[%dma_start3A_67] : memref<4x!tpu.dma_semaphore, #tpu.memory_space<semaphore_mem>> -> memref<1x!tpu.dma_semaphore, #tpu.memory_space<semaphore_mem>>
    %dma_start3A_79 = tpu.memref_squeeze %dma_start3A_78 : memref<1x!tpu.dma_semaphore, #tpu.memory_space<semaphore_mem>> -> memref<!tpu.dma_semaphore, #tpu.memory_space<semaphore_mem>>
    tpu.enqueue_indirect_dma source(%dma_start3A_77 : memref<50257x768xf32, #tpu.memory_space<hbm>>) target(%dma_start3A_71 : memref<16x768xf32, #tpu.memory_space<vmem>>) offsets(%dma_start3A_74 : memref<16xi32, #tpu.memory_space<vmem>>) semaphore(%dma_start3A_79 : memref<!tpu.dma_semaphore, #tpu.memory_space<semaphore_mem>>)
    %dma_start3A_80 = arith.constant 0 : i32
    %dma_start3A_81 = arith.constant 1 : i32
    %dma_start3A_82 = arith.constant 1 : i32
    %dma_start3A_83 = arith.constant 0 : i32
    %dma_start3A_84 = arith.constant 0 : i32
    %dma_start3A_85 = tpu.memref_slice %arg8[%dma_start3A_81, %dma_start3A_83, %dma_start3A_84] : memref<4x16x768xf32, #tpu.memory_space<vmem>> -> memref<1x16x768xf32, #tpu.memory_space<vmem>>
    %dma_start3A_86 = tpu.memref_squeeze %dma_start3A_85 : memref<1x16x768xf32, #tpu.memory_space<vmem>> -> memref<16x768xf32, #tpu.memory_space<vmem>>
    %dma_start3A_87 = arith.constant 16 : i32
    %dma_start3A_88 = tpu.memref_slice %arg6[%dma_start3A_80, %dma_start3A_87] : memref<4x64xi32, #tpu.memory_space<vmem>> -> memref<1x16xi32, #tpu.memory_space<vmem>>
    %dma_start3A_89 = tpu.memref_squeeze %dma_start3A_88 : memref<1x16xi32, #tpu.memory_space<vmem>> -> memref<16xi32, #tpu.memory_space<vmem>>
    %dma_start3A_90 = arith.constant 0 : i32
    %dma_start3A_91 = arith.constant 0 : i32
    %dma_start3A_92 = tpu.memref_slice %arg3[%dma_start3A_90, %dma_start3A_91] : memref<50257x768xf32, #tpu.memory_space<hbm>> -> memref<50257x768xf32, #tpu.memory_space<hbm>>
    %dma_start3A_93 = tpu.memref_slice %arg10[%dma_start3A_82] : memref<4x!tpu.dma_semaphore, #tpu.memory_space<semaphore_mem>> -> memref<1x!tpu.dma_semaphore, #tpu.memory_space<semaphore_mem>>
    %dma_start3A_94 = tpu.memref_squeeze %dma_start3A_93 : memref<1x!tpu.dma_semaphore, #tpu.memory_space<semaphore_mem>> -> memref<!tpu.dma_semaphore, #tpu.memory_space<semaphore_mem>>
    tpu.enqueue_indirect_dma source(%dma_start3A_92 : memref<50257x768xf32, #tpu.memory_space<hbm>>) target(%dma_start3A_86 : memref<16x768xf32, #tpu.memory_space<vmem>>) offsets(%dma_start3A_89 : memref<16xi32, #tpu.memory_space<vmem>>) semaphore(%dma_start3A_94 : memref<!tpu.dma_semaphore, #tpu.memory_space<semaphore_mem>>)
    %dma_wait3A_95 = arith.constant 1 : i32
    %dma_wait3A_96 = arith.constant 1 : i32
    %dma_wait3A_97 = arith.constant 0 : i32
    %dma_wait3A_98 = tpu.memref_slice %arg6[%dma_wait3A_96, %dma_wait3A_97] : memref<4x64xi32, #tpu.memory_space<vmem>> -> memref<1x64xi32, #tpu.memory_space<vmem>>
    %dma_wait3A_99 = tpu.memref_squeeze %dma_wait3A_98 : memref<1x64xi32, #tpu.memory_space<vmem>> -> memref<64xi32, #tpu.memory_space<vmem>>
    %dma_wait3A_100 = tpu.memref_slice %arg2[%dma_wait3A_95, %mul3A_2] : memref<4x2048xi32, #tpu.memory_space<hbm>> -> memref<1x64xi32, #tpu.memory_space<hbm>>
    %dma_wait3A_101 = tpu.memref_squeeze %dma_wait3A_100 : memref<1x64xi32, #tpu.memory_space<hbm>> -> memref<64xi32, #tpu.memory_space<hbm>>
    %dma_wait3A_102 = arith.constant 0 : i32
    %dma_wait3A_103 = tpu.memref_slice %arg6[%dma_wait3A_96, %dma_wait3A_102] : memref<4x64xi32, #tpu.memory_space<vmem>> -> memref<1x64xi32, #tpu.memory_space<vmem>>
    %dma_wait3A_104 = tpu.memref_squeeze %dma_wait3A_103 : memref<1x64xi32, #tpu.memory_space<vmem>> -> memref<64xi32, #tpu.memory_space<vmem>>
    %dma_wait3A_105 = tpu.memref_slice %arg2[%dma_wait3A_95, %mul3A_2] : memref<4x2048xi32, #tpu.memory_space<hbm>> -> memref<1x64xi32, #tpu.memory_space<hbm>>
    %dma_wait3A_106 = tpu.memref_squeeze %dma_wait3A_105 : memref<1x64xi32, #tpu.memory_space<hbm>> -> memref<64xi32, #tpu.memory_space<hbm>>
    tpu.wait_dma2 semaphore(%arg9 : memref<!tpu.dma_semaphore, #tpu.memory_space<semaphore_mem>>) src(%dma_wait3A_106 : memref<64xi32, #tpu.memory_space<hbm>>) dst(%dma_wait3A_104 : memref<64xi32, #tpu.memory_space<vmem>>)
    %dma_wait3A_107 = arith.constant 2 : i32
    %dma_wait3A_108 = arith.constant 2 : i32
    %dma_wait3A_109 = arith.constant 0 : i32
    %dma_wait3A_110 = tpu.memref_slice %arg6[%dma_wait3A_108, %dma_wait3A_109] : memref<4x64xi32, #tpu.memory_space<vmem>> -> memref<1x64xi32, #tpu.memory_space<vmem>>
    %dma_wait3A_111 = tpu.memref_squeeze %dma_wait3A_110 : memref<1x64xi32, #tpu.memory_space<vmem>> -> memref<64xi32, #tpu.memory_space<vmem>>
    %dma_wait3A_112 = tpu.memref_slice %arg2[%dma_wait3A_107, %mul3A_2] : memref<4x2048xi32, #tpu.memory_space<hbm>> -> memref<1x64xi32, #tpu.memory_space<hbm>>
    %dma_wait3A_113 = tpu.memref_squeeze %dma_wait3A_112 : memref<1x64xi32, #tpu.memory_space<hbm>> -> memref<64xi32, #tpu.memory_space<hbm>>
    %dma_wait3A_114 = arith.constant 0 : i32
    %dma_wait3A_115 = tpu.memref_slice %arg6[%dma_wait3A_108, %dma_wait3A_114] : memref<4x64xi32, #tpu.memory_space<vmem>> -> memref<1x64xi32, #tpu.memory_space<vmem>>
    %dma_wait3A_116 = tpu.memref_squeeze %dma_wait3A_115 : memref<1x64xi32, #tpu.memory_space<vmem>> -> memref<64xi32, #tpu.memory_space<vmem>>
    %dma_wait3A_117 = tpu.memref_slice %arg2[%dma_wait3A_107, %mul3A_2] : memref<4x2048xi32, #tpu.memory_space<hbm>> -> memref<1x64xi32, #tpu.memory_space<hbm>>
    %dma_wait3A_118 = tpu.memref_squeeze %dma_wait3A_117 : memref<1x64xi32, #tpu.memory_space<hbm>> -> memref<64xi32, #tpu.memory_space<hbm>>
    tpu.wait_dma2 semaphore(%arg9 : memref<!tpu.dma_semaphore, #tpu.memory_space<semaphore_mem>>) src(%dma_wait3A_118 : memref<64xi32, #tpu.memory_space<hbm>>) dst(%dma_wait3A_116 : memref<64xi32, #tpu.memory_space<vmem>>)
    %dma_wait3A_119 = arith.constant 3 : i32
    %dma_wait3A_120 = arith.constant 3 : i32
    %dma_wait3A_121 = arith.constant 0 : i32
    %dma_wait3A_122 = tpu.memref_slice %arg6[%dma_wait3A_120, %dma_wait3A_121] : memref<4x64xi32, #tpu.memory_space<vmem>> -> memref<1x64xi32, #tpu.memory_space<vmem>>
    %dma_wait3A_123 = tpu.memref_squeeze %dma_wait3A_122 : memref<1x64xi32, #tpu.memory_space<vmem>> -> memref<64xi32, #tpu.memory_space<vmem>>
    %dma_wait3A_124 = tpu.memref_slice %arg2[%dma_wait3A_119, %mul3A_2] : memref<4x2048xi32, #tpu.memory_space<hbm>> -> memref<1x64xi32, #tpu.memory_space<hbm>>
    %dma_wait3A_125 = tpu.memref_squeeze %dma_wait3A_124 : memref<1x64xi32, #tpu.memory_space<hbm>> -> memref<64xi32, #tpu.memory_space<hbm>>
    %dma_wait3A_126 = arith.constant 0 : i32
    %dma_wait3A_127 = tpu.memref_slice %arg6[%dma_wait3A_120, %dma_wait3A_126] : memref<4x64xi32, #tpu.memory_space<vmem>> -> memref<1x64xi32, #tpu.memory_space<vmem>>
    %dma_wait3A_128 = tpu.memref_squeeze %dma_wait3A_127 : memref<1x64xi32, #tpu.memory_space<vmem>> -> memref<64xi32, #tpu.memory_space<vmem>>
    %dma_wait3A_129 = tpu.memref_slice %arg2[%dma_wait3A_119, %mul3A_2] : memref<4x2048xi32, #tpu.memory_space<hbm>> -> memref<1x64xi32, #tpu.memory_space<hbm>>
    %dma_wait3A_130 = tpu.memref_squeeze %dma_wait3A_129 : memref<1x64xi32, #tpu.memory_space<hbm>> -> memref<64xi32, #tpu.memory_space<hbm>>
    tpu.wait_dma2 semaphore(%arg9 : memref<!tpu.dma_semaphore, #tpu.memory_space<semaphore_mem>>) src(%dma_wait3A_130 : memref<64xi32, #tpu.memory_space<hbm>>) dst(%dma_wait3A_128 : memref<64xi32, #tpu.memory_space<vmem>>)
    %dma_wait3A_131 = arith.constant 0 : i32
    %dma_wait3A_132 = tpu.memref_slice %arg4[%mul3A_2, %dma_wait3A_131] : memref<2048x768xf32, #tpu.memory_space<hbm>> -> memref<64x768xf32, #tpu.memory_space<hbm>>
    %dma_wait3A_133 = arith.constant 0 : i32
    %dma_wait3A_134 = tpu.memref_slice %arg4[%mul3A_2, %dma_wait3A_133] : memref<2048x768xf32, #tpu.memory_space<hbm>> -> memref<64x768xf32, #tpu.memory_space<hbm>>
    tpu.wait_dma2 semaphore(%arg9 : memref<!tpu.dma_semaphore, #tpu.memory_space<semaphore_mem>>) src(%dma_wait3A_134 : memref<64x768xf32, #tpu.memory_space<hbm>>) dst(%arg7 : memref<64x768xf32, #tpu.memory_space<vmem>>)
    %scan3A = arith.constant 0 : i32
    %scan3A_135 = arith.constant 0 : i32
    %scan3A_136 = arith.constant 16 : i32
    %scan3A_137 = arith.addi %scan3A_135, %scan3A_136 : i32
    %scan3A_138 = arith.constant 1 : i32
    scf.for %scan3A_224 = %scan3A_135 to %scan3A_137 step %scan3A_138  : i32 {
      %add3A_225 = arith.constant 2 : i32
      %add3A_226 = arith.addi %scan3A_224, %add3A_225 : i32
      %lt3A = arith.constant 16 : i32
      %lt3A_227 = arith.cmpi slt, %add3A_226, %lt3A : i32
      %convert_element_type3A = arith.extui %lt3A_227 : i1 to i32
      %cond3A = arith.constant 0 : i32
      %cond3A_228 = arith.cmpi ne, %convert_element_type3A, %cond3A : i32
      scf.if %cond3A_228 {
        %ge3A = arith.constant 4 : i32
        %ge3A_279 = arith.cmpi sge, %add3A_226, %ge3A : i32
        %convert_element_type3A_280 = arith.extui %ge3A_279 : i1 to i32
        %cond3A_281 = arith.constant 0 : i32
        %cond3A_282 = arith.cmpi ne, %convert_element_type3A_280, %cond3A_281 : i32
        scf.if %cond3A_282 {
          %sub3A = arith.constant 4 : i32
          %sub3A_302 = arith.subi %add3A_226, %sub3A : i32
          %div3A_303 = arith.constant 4 : i32
          %div3A_304 = arith.divsi %sub3A_302, %div3A_303 : i32
          %rem3A_305 = arith.constant 4 : i32
          %rem3A_306 = arith.remsi %sub3A_302, %rem3A_305 : i32
          %rem3A_307 = arith.constant 4 : i32
          %rem3A_308 = arith.remsi %sub3A_302, %rem3A_307 : i32
          %mul3A_309 = arith.constant 16 : i32
          %mul3A_310 = arith.muli %rem3A_306, %mul3A_309 : i32
          %add3A_311 = arith.addi %mul3A_2, %mul3A_310 : i32
          %dma_wait3A_312 = arith.constant 0 : i32
          %dma_wait3A_313 = arith.constant 0 : i32
          %dma_wait3A_314 = tpu.memref_slice %arg8[%rem3A_308, %dma_wait3A_312, %dma_wait3A_313] : memref<4x16x768xf32, #tpu.memory_space<vmem>> -> memref<1x16x768xf32, #tpu.memory_space<vmem>>
          %dma_wait3A_315 = tpu.memref_squeeze %dma_wait3A_314 : memref<1x16x768xf32, #tpu.memory_space<vmem>> -> memref<16x768xf32, #tpu.memory_space<vmem>>
          %dma_wait3A_316 = arith.constant 0 : i32
          %dma_wait3A_317 = tpu.memref_slice %arg5[%div3A_304, %add3A_311, %dma_wait3A_316] : memref<4x2048x768xf32, #tpu.memory_space<hbm>> -> memref<1x16x768xf32, #tpu.memory_space<hbm>>
          %dma_wait3A_318 = tpu.memref_squeeze %dma_wait3A_317 : memref<1x16x768xf32, #tpu.memory_space<hbm>> -> memref<16x768xf32, #tpu.memory_space<hbm>>
          %dma_wait3A_319 = tpu.memref_slice %arg11[%rem3A_308] : memref<4x!tpu.dma_semaphore, #tpu.memory_space<semaphore_mem>> -> memref<1x!tpu.dma_semaphore, #tpu.memory_space<semaphore_mem>>
          %dma_wait3A_320 = tpu.memref_squeeze %dma_wait3A_319 : memref<1x!tpu.dma_semaphore, #tpu.memory_space<semaphore_mem>> -> memref<!tpu.dma_semaphore, #tpu.memory_space<semaphore_mem>>
          %dma_wait3A_321 = arith.constant 0 : i32
          %dma_wait3A_322 = tpu.memref_slice %arg5[%div3A_304, %add3A_311, %dma_wait3A_321] : memref<4x2048x768xf32, #tpu.memory_space<hbm>> -> memref<1x16x768xf32, #tpu.memory_space<hbm>>
          %dma_wait3A_323 = tpu.memref_squeeze %dma_wait3A_322 : memref<1x16x768xf32, #tpu.memory_space<hbm>> -> memref<16x768xf32, #tpu.memory_space<hbm>>
          %dma_wait3A_324 = arith.constant 0 : i32
          %dma_wait3A_325 = arith.constant 0 : i32
          %dma_wait3A_326 = tpu.memref_slice %arg8[%rem3A_308, %dma_wait3A_324, %dma_wait3A_325] : memref<4x16x768xf32, #tpu.memory_space<vmem>> -> memref<1x16x768xf32, #tpu.memory_space<vmem>>
          %dma_wait3A_327 = tpu.memref_squeeze %dma_wait3A_326 : memref<1x16x768xf32, #tpu.memory_space<vmem>> -> memref<16x768xf32, #tpu.memory_space<vmem>>
          tpu.wait_dma2 semaphore(%dma_wait3A_320 : memref<!tpu.dma_semaphore, #tpu.memory_space<semaphore_mem>>) src(%dma_wait3A_327 : memref<16x768xf32, #tpu.memory_space<vmem>>) dst(%dma_wait3A_323 : memref<16x768xf32, #tpu.memory_space<hbm>>)
        } else {
        }
        %div3A_283 = arith.constant 4 : i32
        %div3A_284 = arith.divsi %add3A_226, %div3A_283 : i32
        %rem3A_285 = arith.constant 4 : i32
        %rem3A_286 = arith.remsi %add3A_226, %rem3A_285 : i32
        %rem3A_287 = arith.constant 4 : i32
        %rem3A_288 = arith.remsi %add3A_226, %rem3A_287 : i32
        %mul3A_289 = arith.constant 16 : i32
        %mul3A_290 = arith.muli %rem3A_286, %mul3A_289 : i32
        %dma_start3A_291 = arith.constant 0 : i32
        %dma_start3A_292 = arith.constant 0 : i32
        %dma_start3A_293 = tpu.memref_slice %arg8[%rem3A_288, %dma_start3A_291, %dma_start3A_292] : memref<4x16x768xf32, #tpu.memory_space<vmem>> -> memref<1x16x768xf32, #tpu.memory_space<vmem>>
        %dma_start3A_294 = tpu.memref_squeeze %dma_start3A_293 : memref<1x16x768xf32, #tpu.memory_space<vmem>> -> memref<16x768xf32, #tpu.memory_space<vmem>>
        %dma_start3A_295 = tpu.memref_slice %arg6[%div3A_284, %mul3A_290] : memref<4x64xi32, #tpu.memory_space<vmem>> -> memref<1x16xi32, #tpu.memory_space<vmem>>
        %dma_start3A_296 = tpu.memref_squeeze %dma_start3A_295 : memref<1x16xi32, #tpu.memory_space<vmem>> -> memref<16xi32, #tpu.memory_space<vmem>>
        %dma_start3A_297 = arith.constant 0 : i32
        %dma_start3A_298 = arith.constant 0 : i32
        %dma_start3A_299 = tpu.memref_slice %arg3[%dma_start3A_297, %dma_start3A_298] : memref<50257x768xf32, #tpu.memory_space<hbm>> -> memref<50257x768xf32, #tpu.memory_space<hbm>>
        %dma_start3A_300 = tpu.memref_slice %arg10[%rem3A_288] : memref<4x!tpu.dma_semaphore, #tpu.memory_space<semaphore_mem>> -> memref<1x!tpu.dma_semaphore, #tpu.memory_space<semaphore_mem>>
        %dma_start3A_301 = tpu.memref_squeeze %dma_start3A_300 : memref<1x!tpu.dma_semaphore, #tpu.memory_space<semaphore_mem>> -> memref<!tpu.dma_semaphore, #tpu.memory_space<semaphore_mem>>
        tpu.enqueue_indirect_dma source(%dma_start3A_299 : memref<50257x768xf32, #tpu.memory_space<hbm>>) target(%dma_start3A_294 : memref<16x768xf32, #tpu.memory_space<vmem>>) offsets(%dma_start3A_296 : memref<16xi32, #tpu.memory_space<vmem>>) semaphore(%dma_start3A_301 : memref<!tpu.dma_semaphore, #tpu.memory_space<semaphore_mem>>)
      } else {
      }
      %div3A = arith.constant 4 : i32
      %div3A_229 = arith.divsi %scan3A_224, %div3A : i32
      %rem3A = arith.constant 4 : i32
      %rem3A_230 = arith.remsi %scan3A_224, %rem3A : i32
      %rem3A_231 = arith.constant 4 : i32
      %rem3A_232 = arith.remsi %scan3A_224, %rem3A_231 : i32
      %mul3A_233 = arith.constant 16 : i32
      %mul3A_234 = arith.muli %rem3A_230, %mul3A_233 : i32
      %dma_wait3A_235 = arith.constant 0 : i32
      %dma_wait3A_236 = arith.constant 0 : i32
      %dma_wait3A_237 = tpu.memref_slice %arg8[%rem3A_232, %dma_wait3A_235, %dma_wait3A_236] : memref<4x16x768xf32, #tpu.memory_space<vmem>> -> memref<1x16x768xf32, #tpu.memory_space<vmem>>
      %dma_wait3A_238 = tpu.memref_squeeze %dma_wait3A_237 : memref<1x16x768xf32, #tpu.memory_space<vmem>> -> memref<16x768xf32, #tpu.memory_space<vmem>>
      %dma_wait3A_239 = tpu.memref_slice %arg6[%div3A_229, %mul3A_234] : memref<4x64xi32, #tpu.memory_space<vmem>> -> memref<1x16xi32, #tpu.memory_space<vmem>>
      %dma_wait3A_240 = tpu.memref_squeeze %dma_wait3A_239 : memref<1x16xi32, #tpu.memory_space<vmem>> -> memref<16xi32, #tpu.memory_space<vmem>>
      %dma_wait3A_241 = arith.constant 0 : i32
      %dma_wait3A_242 = arith.constant 0 : i32
      %dma_wait3A_243 = tpu.memref_slice %arg3[%dma_wait3A_241, %dma_wait3A_242] : memref<50257x768xf32, #tpu.memory_space<hbm>> -> memref<50257x768xf32, #tpu.memory_space<hbm>>
      %dma_wait3A_244 = tpu.memref_slice %arg10[%rem3A_232] : memref<4x!tpu.dma_semaphore, #tpu.memory_space<semaphore_mem>> -> memref<1x!tpu.dma_semaphore, #tpu.memory_space<semaphore_mem>>
      %dma_wait3A_245 = tpu.memref_squeeze %dma_wait3A_244 : memref<1x!tpu.dma_semaphore, #tpu.memory_space<semaphore_mem>> -> memref<!tpu.dma_semaphore, #tpu.memory_space<semaphore_mem>>
      tpu.wait_indirect_dma semaphore(%dma_wait3A_245 : memref<!tpu.dma_semaphore, #tpu.memory_space<semaphore_mem>>) src(%dma_wait3A_243 : memref<50257x768xf32, #tpu.memory_space<hbm>>) dst(%dma_wait3A_238 : memref<16x768xf32, #tpu.memory_space<vmem>>)
      %rem3A_246 = arith.constant 4 : i32
      %rem3A_247 = arith.remsi %scan3A_224, %rem3A_246 : i32
      %mul3A_248 = arith.constant 16 : i32
      %mul3A_249 = arith.muli %rem3A_247, %mul3A_248 : i32
      %rem3A_250 = arith.constant 4 : i32
      %rem3A_251 = arith.remsi %scan3A_224, %rem3A_250 : i32
      %parallel_loop3A = arith.constant 0 : i32
      %parallel_loop3A_252 = arith.constant 16 : i32
      %parallel_loop3A_253 = arith.constant 1 : i32
      scf.for %parallel_loop3A_279 = %parallel_loop3A to %parallel_loop3A_252 step %parallel_loop3A_253  : i32 {
        %parallel_loop3A_280 = arith.addi %mul3A_249, %parallel_loop3A_279 : i32
        %parallel_loop3A_281 = arith.index_cast %parallel_loop3A_280 : i32 to index
        %parallel_loop3A_282 = arith.constant 0 : index
        %parallel_loop3A_283 = tpu.vector_load %arg7[%parallel_loop3A_281, %parallel_loop3A_282] {strides = array<i32>} : memref<64x768xf32, #tpu.memory_space<vmem>>, vector<1x16xf32>,
        %parallel_loop3A_284 = vector.shape_cast %parallel_loop3A_283 : vector<1x16xf32> to vector<16xf32>
        %parallel_loop3A_285 = arith.index_cast %rem3A_251 : i32 to index
        %parallel_loop3A_286 = arith.index_cast %parallel_loop3A_279 : i32 to index
        %parallel_loop3A_287 = arith.constant 0 : index
        %parallel_loop3A_288 = tpu.vector_load %arg8[%parallel_loop3A_285, %parallel_loop3A_286, %parallel_loop3A_287] {strides = array<i32>} : memref<4x16x768xf32, #tpu.memory_space<vmem>>, vector<1x1x16xf32>,
        %parallel_loop3A_289 = vector.shape_cast %parallel_loop3A_288 : vector<1x1x16xf32> to vector<16xf32>
        %parallel_loop3A_290 = vector.shape_cast %parallel_loop3A_284 : vector<16xf32> to vector<1x1x16xf32>
        tpu.vector_store %arg8[%parallel_loop3A_285, %parallel_loop3A_286, %parallel_loop3A_287], %parallel_loop3A_290 {add = true, strides = array<i32>} : memref<4x16x768xf32, #tpu.memory_space<vmem>>, vector<1x1x16xf32>,
        %parallel_loop3A_291 = arith.addi %mul3A_249, %parallel_loop3A_279 : i32
        %parallel_loop3A_292 = arith.index_cast %parallel_loop3A_291 : i32 to index
        %parallel_loop3A_293 = arith.constant 16 : index
        %parallel_loop3A_294 = tpu.vector_load %arg7[%parallel_loop3A_292, %parallel_loop3A_293] {strides = array<i32>} : memref<64x768xf32, #tpu.memory_space<vmem>>, vector<1x16xf32>,
        %parallel_loop3A_295 = vector.shape_cast %parallel_loop3A_294 : vector<1x16xf32> to vector<16xf32>
        %parallel_loop3A_296 = arith.index_cast %rem3A_251 : i32 to index
        %parallel_loop3A_297 = arith.index_cast %parallel_loop3A_279 : i32 to index
        %parallel_loop3A_298 = arith.constant 16 : index
        %parallel_loop3A_299 = tpu.vector_load %arg8[%parallel_loop3A_296, %parallel_loop3A_297, %parallel_loop3A_298] {strides = array<i32>} : memref<4x16x768xf32, #tpu.memory_space<vmem>>, vector<1x1x16xf32>,
        %parallel_loop3A_300 = vector.shape_cast %parallel_loop3A_299 : vector<1x1x16xf32> to vector<16xf32>
        %parallel_loop3A_301 = vector.shape_cast %parallel_loop3A_295 : vector<16xf32> to vector<1x1x16xf32>
        tpu.vector_store %arg8[%parallel_loop3A_296, %parallel_loop3A_297, %parallel_loop3A_298], %parallel_loop3A_301 {add = true, strides = array<i32>} : memref<4x16x768xf32, #tpu.memory_space<vmem>>, vector<1x1x16xf32>,
        %parallel_loop3A_302 = arith.addi %mul3A_249, %parallel_loop3A_279 : i32
        %parallel_loop3A_303 = arith.index_cast %parallel_loop3A_302 : i32 to index
        %parallel_loop3A_304 = arith.constant 32 : index
        %parallel_loop3A_305 = tpu.vector_load %arg7[%parallel_loop3A_303, %parallel_loop3A_304] {strides = array<i32>} : memref<64x768xf32, #tpu.memory_space<vmem>>, vector<1x16xf32>,
        %parallel_loop3A_306 = vector.shape_cast %parallel_loop3A_305 : vector<1x16xf32> to vector<16xf32>
        %parallel_loop3A_307 = arith.index_cast %rem3A_251 : i32 to index
        %parallel_loop3A_308 = arith.index_cast %parallel_loop3A_279 : i32 to index
        %parallel_loop3A_309 = arith.constant 32 : index
        %parallel_loop3A_310 = tpu.vector_load %arg8[%parallel_loop3A_307, %parallel_loop3A_308, %parallel_loop3A_309] {strides = array<i32>} : memref<4x16x768xf32, #tpu.memory_space<vmem>>, vector<1x1x16xf32>,
        %parallel_loop3A_311 = vector.shape_cast %parallel_loop3A_310 : vector<1x1x16xf32> to vector<16xf32>
        %parallel_loop3A_312 = vector.shape_cast %parallel_loop3A_306 : vector<16xf32> to vector<1x1x16xf32>
        tpu.vector_store %arg8[%parallel_loop3A_307, %parallel_loop3A_308, %parallel_loop3A_309], %parallel_loop3A_312 {add = true, strides = array<i32>} : memref<4x16x768xf32, #tpu.memory_space<vmem>>, vector<1x1x16xf32>,
        %parallel_loop3A_313 = arith.addi %mul3A_249, %parallel_loop3A_279 : i32
        %parallel_loop3A_314 = arith.index_cast %parallel_loop3A_313 : i32 to index
        %parallel_loop3A_315 = arith.constant 48 : index
        %parallel_loop3A_316 = tpu.vector_load %arg7[%parallel_loop3A_314, %parallel_loop3A_315] {strides = array<i32>} : memref<64x768xf32, #tpu.memory_space<vmem>>, vector<1x16xf32>,
        %parallel_loop3A_317 = vector.shape_cast %parallel_loop3A_316 : vector<1x16xf32> to vector<16xf32>
        %parallel_loop3A_318 = arith.index_cast %rem3A_251 : i32 to index
        %parallel_loop3A_319 = arith.index_cast %parallel_loop3A_279 : i32 to index
        %parallel_loop3A_320 = arith.constant 48 : index
        %parallel_loop3A_321 = tpu.vector_load %arg8[%parallel_loop3A_318, %parallel_loop3A_319, %parallel_loop3A_320] {strides = array<i32>} : memref<4x16x768xf32, #tpu.memory_space<vmem>>, vector<1x1x16xf32>,
        %parallel_loop3A_322 = vector.shape_cast %parallel_loop3A_321 : vector<1x1x16xf32> to vector<16xf32>
        %parallel_loop3A_323 = vector.shape_cast %parallel_loop3A_317 : vector<16xf32> to vector<1x1x16xf32>
        tpu.vector_store %arg8[%parallel_loop3A_318, %parallel_loop3A_319, %parallel_loop3A_320], %parallel_loop3A_323 {add = true, strides = array<i32>} : memref<4x16x768xf32, #tpu.memory_space<vmem>>, vector<1x1x16xf32>,
        %parallel_loop3A_324 = arith.addi %mul3A_249, %parallel_loop3A_279 : i32
        %parallel_loop3A_325 = arith.index_cast %parallel_loop3A_324 : i32 to index
        %parallel_loop3A_326 = arith.constant 64 : index
        %parallel_loop3A_327 = tpu.vector_load %arg7[%parallel_loop3A_325, %parallel_loop3A_326] {strides = array<i32>} : memref<64x768xf32, #tpu.memory_space<vmem>>, vector<1x16xf32>,
        %parallel_loop3A_328 = vector.shape_cast %parallel_loop3A_327 : vector<1x16xf32> to vector<16xf32>
        %parallel_loop3A_329 = arith.index_cast %rem3A_251 : i32 to index
        %parallel_loop3A_330 = arith.index_cast %parallel_loop3A_279 : i32 to index
        %parallel_loop3A_331 = arith.constant 64 : index
        %parallel_loop3A_332 = tpu.vector_load %arg8[%parallel_loop3A_329, %parallel_loop3A_330, %parallel_loop3A_331] {strides = array<i32>} : memref<4x16x768xf32, #tpu.memory_space<vmem>>, vector<1x1x16xf32>,
        %parallel_loop3A_333 = vector.shape_cast %parallel_loop3A_332 : vector<1x1x16xf32> to vector<16xf32>
        %parallel_loop3A_334 = vector.shape_cast %parallel_loop3A_328 : vector<16xf32> to vector<1x1x16xf32>
        tpu.vector_store %arg8[%parallel_loop3A_329, %parallel_loop3A_330, %parallel_loop3A_331], %parallel_loop3A_334 {add = true, strides = array<i32>} : memref<4x16x768xf32, #tpu.memory_space<vmem>>, vector<1x1x16xf32>,
        %parallel_loop3A_335 = arith.addi %mul3A_249, %parallel_loop3A_279 : i32
        %parallel_loop3A_336 = arith.index_cast %parallel_loop3A_335 : i32 to index
        %parallel_loop3A_337 = arith.constant 80 : index
        %parallel_loop3A_338 = tpu.vector_load %arg7[%parallel_loop3A_336, %parallel_loop3A_337] {strides = array<i32>} : memref<64x768xf32, #tpu.memory_space<vmem>>, vector<1x16xf32>,
        %parallel_loop3A_339 = vector.shape_cast %parallel_loop3A_338 : vector<1x16xf32> to vector<16xf32>
        %parallel_loop3A_340 = arith.index_cast %rem3A_251 : i32 to index
        %parallel_loop3A_341 = arith.index_cast %parallel_loop3A_279 : i32 to index
        %parallel_loop3A_342 = arith.constant 80 : index
        %parallel_loop3A_343 = tpu.vector_load %arg8[%parallel_loop3A_340, %parallel_loop3A_341, %parallel_loop3A_342] {strides = array<i32>} : memref<4x16x768xf32, #tpu.memory_space<vmem>>, vector<1x1x16xf32>,
        %parallel_loop3A_344 = vector.shape_cast %parallel_loop3A_343 : vector<1x1x16xf32> to vector<16xf32>
        %parallel_loop3A_345 = vector.shape_cast %parallel_loop3A_339 : vector<16xf32> to vector<1x1x16xf32>
        tpu.vector_store %arg8[%parallel_loop3A_340, %parallel_loop3A_341, %parallel_loop3A_342], %parallel_loop3A_345 {add = true, strides = array<i32>} : memref<4x16x768xf32, #tpu.memory_space<vmem>>, vector<1x1x16xf32>,
        %parallel_loop3A_346 = arith.addi %mul3A_249, %parallel_loop3A_279 : i32
        %parallel_loop3A_347 = arith.index_cast %parallel_loop3A_346 : i32 to index
        %parallel_loop3A_348 = arith.constant 96 : index
        %parallel_loop3A_349 = tpu.vector_load %arg7[%parallel_loop3A_347, %parallel_loop3A_348] {strides = array<i32>} : memref<64x768xf32, #tpu.memory_space<vmem>>, vector<1x16xf32>,
        %parallel_loop3A_350 = vector.shape_cast %parallel_loop3A_349 : vector<1x16xf32> to vector<16xf32>
        %parallel_loop3A_351 = arith.index_cast %rem3A_251 : i32 to index
        %parallel_loop3A_352 = arith.index_cast %parallel_loop3A_279 : i32 to index
        %parallel_loop3A_353 = arith.constant 96 : index
        %parallel_loop3A_354 = tpu.vector_load %arg8[%parallel_loop3A_351, %parallel_loop3A_352, %parallel_loop3A_353] {strides = array<i32>} : memref<4x16x768xf32, #tpu.memory_space<vmem>>, vector<1x1x16xf32>,
        %parallel_loop3A_355 = vector.shape_cast %parallel_loop3A_354 : vector<1x1x16xf32> to vector<16xf32>
        %parallel_loop3A_356 = vector.shape_cast %parallel_loop3A_350 : vector<16xf32> to vector<1x1x16xf32>
        tpu.vector_store %arg8[%parallel_loop3A_351, %parallel_loop3A_352, %parallel_loop3A_353], %parallel_loop3A_356 {add = true, strides = array<i32>} : memref<4x16x768xf32, #tpu.memory_space<vmem>>, vector<1x1x16xf32>,
        %parallel_loop3A_357 = arith.addi %mul3A_249, %parallel_loop3A_279 : i32
        %parallel_loop3A_358 = arith.index_cast %parallel_loop3A_357 : i32 to index
        %parallel_loop3A_359 = arith.constant 112 : index
        %parallel_loop3A_360 = tpu.vector_load %arg7[%parallel_loop3A_358, %parallel_loop3A_359] {strides = array<i32>} : memref<64x768xf32, #tpu.memory_space<vmem>>, vector<1x16xf32>,
        %parallel_loop3A_361 = vector.shape_cast %parallel_loop3A_360 : vector<1x16xf32> to vector<16xf32>
        %parallel_loop3A_362 = arith.index_cast %rem3A_251 : i32 to index
        %parallel_loop3A_363 = arith.index_cast %parallel_loop3A_279 : i32 to index
        %parallel_loop3A_364 = arith.constant 112 : index
        %parallel_loop3A_365 = tpu.vector_load %arg8[%parallel_loop3A_362, %parallel_loop3A_363, %parallel_loop3A_364] {strides = array<i32>} : memref<4x16x768xf32, #tpu.memory_space<vmem>>, vector<1x1x16xf32>,
        %parallel_loop3A_366 = vector.shape_cast %parallel_loop3A_365 : vector<1x1x16xf32> to vector<16xf32>
        %parallel_loop3A_367 = vector.shape_cast %parallel_loop3A_361 : vector<16xf32> to vector<1x1x16xf32>
        tpu.vector_store %arg8[%parallel_loop3A_362, %parallel_loop3A_363, %parallel_loop3A_364], %parallel_loop3A_367 {add = true, strides = array<i32>} : memref<4x16x768xf32, #tpu.memory_space<vmem>>, vector<1x1x16xf32>,
        %parallel_loop3A_368 = arith.addi %mul3A_249, %parallel_loop3A_279 : i32
        %parallel_loop3A_369 = arith.index_cast %parallel_loop3A_368 : i32 to index
        %parallel_loop3A_370 = arith.constant 128 : index
        %parallel_loop3A_371 = tpu.vector_load %arg7[%parallel_loop3A_369, %parallel_loop3A_370] {strides = array<i32>} : memref<64x768xf32, #tpu.memory_space<vmem>>, vector<1x16xf32>,
        %parallel_loop3A_372 = vector.shape_cast %parallel_loop3A_371 : vector<1x16xf32> to vector<16xf32>
        %parallel_loop3A_373 = arith.index_cast %rem3A_251 : i32 to index
        %parallel_loop3A_374 = arith.index_cast %parallel_loop3A_279 : i32 to index
        %parallel_loop3A_375 = arith.constant 128 : index
        %parallel_loop3A_376 = tpu.vector_load %arg8[%parallel_loop3A_373, %parallel_loop3A_374, %parallel_loop3A_375] {strides = array<i32>} : memref<4x16x768xf32, #tpu.memory_space<vmem>>, vector<1x1x16xf32>,
        %parallel_loop3A_377 = vector.shape_cast %parallel_loop3A_376 : vector<1x1x16xf32> to vector<16xf32>
        %parallel_loop3A_378 = vector.shape_cast %parallel_loop3A_372 : vector<16xf32> to vector<1x1x16xf32>
        tpu.vector_store %arg8[%parallel_loop3A_373, %parallel_loop3A_374, %parallel_loop3A_375], %parallel_loop3A_378 {add = true, strides = array<i32>} : memref<4x16x768xf32, #tpu.memory_space<vmem>>, vector<1x1x16xf32>,
        %parallel_loop3A_379 = arith.addi %mul3A_249, %parallel_loop3A_279 : i32
        %parallel_loop3A_380 = arith.index_cast %parallel_loop3A_379 : i32 to index
        %parallel_loop3A_381 = arith.constant 144 : index
        %parallel_loop3A_382 = tpu.vector_load %arg7[%parallel_loop3A_380, %parallel_loop3A_381] {strides = array<i32>} : memref<64x768xf32, #tpu.memory_space<vmem>>, vector<1x16xf32>,
        %parallel_loop3A_383 = vector.shape_cast %parallel_loop3A_382 : vector<1x16xf32> to vector<16xf32>
        %parallel_loop3A_384 = arith.index_cast %rem3A_251 : i32 to index
        %parallel_loop3A_385 = arith.index_cast %parallel_loop3A_279 : i32 to index
        %parallel_loop3A_386 = arith.constant 144 : index
        %parallel_loop3A_387 = tpu.vector_load %arg8[%parallel_loop3A_384, %parallel_loop3A_385, %parallel_loop3A_386] {strides = array<i32>} : memref<4x16x768xf32, #tpu.memory_space<vmem>>, vector<1x1x16xf32>,
        %parallel_loop3A_388 = vector.shape_cast %parallel_loop3A_387 : vector<1x1x16xf32> to vector<16xf32>
        %parallel_loop3A_389 = vector.shape_cast %parallel_loop3A_383 : vector<16xf32> to vector<1x1x16xf32>
        tpu.vector_store %arg8[%parallel_loop3A_384, %parallel_loop3A_385, %parallel_loop3A_386], %parallel_loop3A_389 {add = true, strides = array<i32>} : memref<4x16x768xf32, #tpu.memory_space<vmem>>, vector<1x1x16xf32>,
        %parallel_loop3A_390 = arith.addi %mul3A_249, %parallel_loop3A_279 : i32
        %parallel_loop3A_391 = arith.index_cast %parallel_loop3A_390 : i32 to index
        %parallel_loop3A_392 = arith.constant 160 : index
        %parallel_loop3A_393 = tpu.vector_load %arg7[%parallel_loop3A_391, %parallel_loop3A_392] {strides = array<i32>} : memref<64x768xf32, #tpu.memory_space<vmem>>, vector<1x16xf32>,
        %parallel_loop3A_394 = vector.shape_cast %parallel_loop3A_393 : vector<1x16xf32> to vector<16xf32>
        %parallel_loop3A_395 = arith.index_cast %rem3A_251 : i32 to index
        %parallel_loop3A_396 = arith.index_cast %parallel_loop3A_279 : i32 to index
        %parallel_loop3A_397 = arith.constant 160 : index
        %parallel_loop3A_398 = tpu.vector_load %arg8[%parallel_loop3A_395, %parallel_loop3A_396, %parallel_loop3A_397] {strides = array<i32>} : memref<4x16x768xf32, #tpu.memory_space<vmem>>, vector<1x1x16xf32>,
        %parallel_loop3A_399 = vector.shape_cast %parallel_loop3A_398 : vector<1x1x16xf32> to vector<16xf32>
        %parallel_loop3A_400 = vector.shape_cast %parallel_loop3A_394 : vector<16xf32> to vector<1x1x16xf32>
        tpu.vector_store %arg8[%parallel_loop3A_395, %parallel_loop3A_396, %parallel_loop3A_397], %parallel_loop3A_400 {add = true, strides = array<i32>} : memref<4x16x768xf32, #tpu.memory_space<vmem>>, vector<1x1x16xf32>,
        %parallel_loop3A_401 = arith.addi %mul3A_249, %parallel_loop3A_279 : i32
        %parallel_loop3A_402 = arith.index_cast %parallel_loop3A_401 : i32 to index
        %parallel_loop3A_403 = arith.constant 176 : index
        %parallel_loop3A_404 = tpu.vector_load %arg7[%parallel_loop3A_402, %parallel_loop3A_403] {strides = array<i32>} : memref<64x768xf32, #tpu.memory_space<vmem>>, vector<1x16xf32>,
        %parallel_loop3A_405 = vector.shape_cast %parallel_loop3A_404 : vector<1x16xf32> to vector<16xf32>
        %parallel_loop3A_406 = arith.index_cast %rem3A_251 : i32 to index
        %parallel_loop3A_407 = arith.index_cast %parallel_loop3A_279 : i32 to index
        %parallel_loop3A_408 = arith.constant 176 : index
        %parallel_loop3A_409 = tpu.vector_load %arg8[%parallel_loop3A_406, %parallel_loop3A_407, %parallel_loop3A_408] {strides = array<i32>} : memref<4x16x768xf32, #tpu.memory_space<vmem>>, vector<1x1x16xf32>,
        %parallel_loop3A_410 = vector.shape_cast %parallel_loop3A_409 : vector<1x1x16xf32> to vector<16xf32>
        %parallel_loop3A_411 = vector.shape_cast %parallel_loop3A_405 : vector<16xf32> to vector<1x1x16xf32>
        tpu.vector_store %arg8[%parallel_loop3A_406, %parallel_loop3A_407, %parallel_loop3A_408], %parallel_loop3A_411 {add = true, strides = array<i32>} : memref<4x16x768xf32, #tpu.memory_space<vmem>>, vector<1x1x16xf32>,
        %parallel_loop3A_412 = arith.addi %mul3A_249, %parallel_loop3A_279 : i32
        %parallel_loop3A_413 = arith.index_cast %parallel_loop3A_412 : i32 to index
        %parallel_loop3A_414 = arith.constant 192 : index
        %parallel_loop3A_415 = tpu.vector_load %arg7[%parallel_loop3A_413, %parallel_loop3A_414] {strides = array<i32>} : memref<64x768xf32, #tpu.memory_space<vmem>>, vector<1x16xf32>,
        %parallel_loop3A_416 = vector.shape_cast %parallel_loop3A_415 : vector<1x16xf32> to vector<16xf32>
        %parallel_loop3A_417 = arith.index_cast %rem3A_251 : i32 to index
        %parallel_loop3A_418 = arith.index_cast %parallel_loop3A_279 : i32 to index
        %parallel_loop3A_419 = arith.constant 192 : index
        %parallel_loop3A_420 = tpu.vector_load %arg8[%parallel_loop3A_417, %parallel_loop3A_418, %parallel_loop3A_419] {strides = array<i32>} : memref<4x16x768xf32, #tpu.memory_space<vmem>>, vector<1x1x16xf32>,
        %parallel_loop3A_421 = vector.shape_cast %parallel_loop3A_420 : vector<1x1x16xf32> to vector<16xf32>
        %parallel_loop3A_422 = vector.shape_cast %parallel_loop3A_416 : vector<16xf32> to vector<1x1x16xf32>
        tpu.vector_store %arg8[%parallel_loop3A_417, %parallel_loop3A_418, %parallel_loop3A_419], %parallel_loop3A_422 {add = true, strides = array<i32>} : memref<4x16x768xf32, #tpu.memory_space<vmem>>, vector<1x1x16xf32>,
        %parallel_loop3A_423 = arith.addi %mul3A_249, %parallel_loop3A_279 : i32
        %parallel_loop3A_424 = arith.index_cast %parallel_loop3A_423 : i32 to index
        %parallel_loop3A_425 = arith.constant 208 : index
        %parallel_loop3A_426 = tpu.vector_load %arg7[%parallel_loop3A_424, %parallel_loop3A_425] {strides = array<i32>} : memref<64x768xf32, #tpu.memory_space<vmem>>, vector<1x16xf32>,
        %parallel_loop3A_427 = vector.shape_cast %parallel_loop3A_426 : vector<1x16xf32> to vector<16xf32>
        %parallel_loop3A_428 = arith.index_cast %rem3A_251 : i32 to index
        %parallel_loop3A_429 = arith.index_cast %parallel_loop3A_279 : i32 to index
        %parallel_loop3A_430 = arith.constant 208 : index
        %parallel_loop3A_431 = tpu.vector_load %arg8[%parallel_loop3A_428, %parallel_loop3A_429, %parallel_loop3A_430] {strides = array<i32>} : memref<4x16x768xf32, #tpu.memory_space<vmem>>, vector<1x1x16xf32>,
        %parallel_loop3A_432 = vector.shape_cast %parallel_loop3A_431 : vector<1x1x16xf32> to vector<16xf32>
        %parallel_loop3A_433 = vector.shape_cast %parallel_loop3A_427 : vector<16xf32> to vector<1x1x16xf32>
        tpu.vector_store %arg8[%parallel_loop3A_428, %parallel_loop3A_429, %parallel_loop3A_430], %parallel_loop3A_433 {add = true, strides = array<i32>} : memref<4x16x768xf32, #tpu.memory_space<vmem>>, vector<1x1x16xf32>,
        %parallel_loop3A_434 = arith.addi %mul3A_249, %parallel_loop3A_279 : i32
        %parallel_loop3A_435 = arith.index_cast %parallel_loop3A_434 : i32 to index
        %parallel_loop3A_436 = arith.constant 224 : index
        %parallel_loop3A_437 = tpu.vector_load %arg7[%parallel_loop3A_435, %parallel_loop3A_436] {strides = array<i32>} : memref<64x768xf32, #tpu.memory_space<vmem>>, vector<1x16xf32>,
        %parallel_loop3A_438 = vector.shape_cast %parallel_loop3A_437 : vector<1x16xf32> to vector<16xf32>
        %parallel_loop3A_439 = arith.index_cast %rem3A_251 : i32 to index
        %parallel_loop3A_440 = arith.index_cast %parallel_loop3A_279 : i32 to index
        %parallel_loop3A_441 = arith.constant 224 : index
        %parallel_loop3A_442 = tpu.vector_load %arg8[%parallel_loop3A_439, %parallel_loop3A_440, %parallel_loop3A_441] {strides = array<i32>} : memref<4x16x768xf32, #tpu.memory_space<vmem>>, vector<1x1x16xf32>,
        %parallel_loop3A_443 = vector.shape_cast %parallel_loop3A_442 : vector<1x1x16xf32> to vector<16xf32>
        %parallel_loop3A_444 = vector.shape_cast %parallel_loop3A_438 : vector<16xf32> to vector<1x1x16xf32>
        tpu.vector_store %arg8[%parallel_loop3A_439, %parallel_loop3A_440, %parallel_loop3A_441], %parallel_loop3A_444 {add = true, strides = array<i32>} : memref<4x16x768xf32, #tpu.memory_space<vmem>>, vector<1x1x16xf32>,
        %parallel_loop3A_445 = arith.addi %mul3A_249, %parallel_loop3A_279 : i32
        %parallel_loop3A_446 = arith.index_cast %parallel_loop3A_445 : i32 to index
        %parallel_loop3A_447 = arith.constant 240 : index
        %parallel_loop3A_448 = tpu.vector_load %arg7[%parallel_loop3A_446, %parallel_loop3A_447] {strides = array<i32>} : memref<64x768xf32, #tpu.memory_space<vmem>>, vector<1x16xf32>,
        %parallel_loop3A_449 = vector.shape_cast %parallel_loop3A_448 : vector<1x16xf32> to vector<16xf32>
        %parallel_loop3A_450 = arith.index_cast %rem3A_251 : i32 to index
        %parallel_loop3A_451 = arith.index_cast %parallel_loop3A_279 : i32 to index
        %parallel_loop3A_452 = arith.constant 240 : index
        %parallel_loop3A_453 = tpu.vector_load %arg8[%parallel_loop3A_450, %parallel_loop3A_451, %parallel_loop3A_452] {strides = array<i32>} : memref<4x16x768xf32, #tpu.memory_space<vmem>>, vector<1x1x16xf32>,
        %parallel_loop3A_454 = vector.shape_cast %parallel_loop3A_453 : vector<1x1x16xf32> to vector<16xf32>
        %parallel_loop3A_455 = vector.shape_cast %parallel_loop3A_449 : vector<16xf32> to vector<1x1x16xf32>
        tpu.vector_store %arg8[%parallel_loop3A_450, %parallel_loop3A_451, %parallel_loop3A_452], %parallel_loop3A_455 {add = true, strides = array<i32>} : memref<4x16x768xf32, #tpu.memory_space<vmem>>, vector<1x1x16xf32>,
        %parallel_loop3A_456 = arith.addi %mul3A_249, %parallel_loop3A_279 : i32
        %parallel_loop3A_457 = arith.index_cast %parallel_loop3A_456 : i32 to index
        %parallel_loop3A_458 = arith.constant 256 : index
        %parallel_loop3A_459 = tpu.vector_load %arg7[%parallel_loop3A_457, %parallel_loop3A_458] {strides = array<i32>} : memref<64x768xf32, #tpu.memory_space<vmem>>, vector<1x16xf32>,
        %parallel_loop3A_460 = vector.shape_cast %parallel_loop3A_459 : vector<1x16xf32> to vector<16xf32>
        %parallel_loop3A_461 = arith.index_cast %rem3A_251 : i32 to index
        %parallel_loop3A_462 = arith.index_cast %parallel_loop3A_279 : i32 to index
        %parallel_loop3A_463 = arith.constant 256 : index
        %parallel_loop3A_464 = tpu.vector_load %arg8[%parallel_loop3A_461, %parallel_loop3A_462, %parallel_loop3A_463] {strides = array<i32>} : memref<4x16x768xf32, #tpu.memory_space<vmem>>, vector<1x1x16xf32>,
        %parallel_loop3A_465 = vector.shape_cast %parallel_loop3A_464 : vector<1x1x16xf32> to vector<16xf32>
        %parallel_loop3A_466 = vector.shape_cast %parallel_loop3A_460 : vector<16xf32> to vector<1x1x16xf32>
        tpu.vector_store %arg8[%parallel_loop3A_461, %parallel_loop3A_462, %parallel_loop3A_463], %parallel_loop3A_466 {add = true, strides = array<i32>} : memref<4x16x768xf32, #tpu.memory_space<vmem>>, vector<1x1x16xf32>,
        %parallel_loop3A_467 = arith.addi %mul3A_249, %parallel_loop3A_279 : i32
        %parallel_loop3A_468 = arith.index_cast %parallel_loop3A_467 : i32 to index
        %parallel_loop3A_469 = arith.constant 272 : index
        %parallel_loop3A_470 = tpu.vector_load %arg7[%parallel_loop3A_468, %parallel_loop3A_469] {strides = array<i32>} : memref<64x768xf32, #tpu.memory_space<vmem>>, vector<1x16xf32>,
        %parallel_loop3A_471 = vector.shape_cast %parallel_loop3A_470 : vector<1x16xf32> to vector<16xf32>
        %parallel_loop3A_472 = arith.index_cast %rem3A_251 : i32 to index
        %parallel_loop3A_473 = arith.index_cast %parallel_loop3A_279 : i32 to index
        %parallel_loop3A_474 = arith.constant 272 : index
        %parallel_loop3A_475 = tpu.vector_load %arg8[%parallel_loop3A_472, %parallel_loop3A_473, %parallel_loop3A_474] {strides = array<i32>} : memref<4x16x768xf32, #tpu.memory_space<vmem>>, vector<1x1x16xf32>,
        %parallel_loop3A_476 = vector.shape_cast %parallel_loop3A_475 : vector<1x1x16xf32> to vector<16xf32>
        %parallel_loop3A_477 = vector.shape_cast %parallel_loop3A_471 : vector<16xf32> to vector<1x1x16xf32>
        tpu.vector_store %arg8[%parallel_loop3A_472, %parallel_loop3A_473, %parallel_loop3A_474], %parallel_loop3A_477 {add = true, strides = array<i32>} : memref<4x16x768xf32, #tpu.memory_space<vmem>>, vector<1x1x16xf32>,
        %parallel_loop3A_478 = arith.addi %mul3A_249, %parallel_loop3A_279 : i32
        %parallel_loop3A_479 = arith.index_cast %parallel_loop3A_478 : i32 to index
        %parallel_loop3A_480 = arith.constant 288 : index
        %parallel_loop3A_481 = tpu.vector_load %arg7[%parallel_loop3A_479, %parallel_loop3A_480] {strides = array<i32>} : memref<64x768xf32, #tpu.memory_space<vmem>>, vector<1x16xf32>,
        %parallel_loop3A_482 = vector.shape_cast %parallel_loop3A_481 : vector<1x16xf32> to vector<16xf32>
        %parallel_loop3A_483 = arith.index_cast %rem3A_251 : i32 to index
        %parallel_loop3A_484 = arith.index_cast %parallel_loop3A_279 : i32 to index
        %parallel_loop3A_485 = arith.constant 288 : index
        %parallel_loop3A_486 = tpu.vector_load %arg8[%parallel_loop3A_483, %parallel_loop3A_484, %parallel_loop3A_485] {strides = array<i32>} : memref<4x16x768xf32, #tpu.memory_space<vmem>>, vector<1x1x16xf32>,
        %parallel_loop3A_487 = vector.shape_cast %parallel_loop3A_486 : vector<1x1x16xf32> to vector<16xf32>
        %parallel_loop3A_488 = vector.shape_cast %parallel_loop3A_482 : vector<16xf32> to vector<1x1x16xf32>
        tpu.vector_store %arg8[%parallel_loop3A_483, %parallel_loop3A_484, %parallel_loop3A_485], %parallel_loop3A_488 {add = true, strides = array<i32>} : memref<4x16x768xf32, #tpu.memory_space<vmem>>, vector<1x1x16xf32>,
        %parallel_loop3A_489 = arith.addi %mul3A_249, %parallel_loop3A_279 : i32
        %parallel_loop3A_490 = arith.index_cast %parallel_loop3A_489 : i32 to index
        %parallel_loop3A_491 = arith.constant 304 : index
        %parallel_loop3A_492 = tpu.vector_load %arg7[%parallel_loop3A_490, %parallel_loop3A_491] {strides = array<i32>} : memref<64x768xf32, #tpu.memory_space<vmem>>, vector<1x16xf32>,
        %parallel_loop3A_493 = vector.shape_cast %parallel_loop3A_492 : vector<1x16xf32> to vector<16xf32>
        %parallel_loop3A_494 = arith.index_cast %rem3A_251 : i32 to index
        %parallel_loop3A_495 = arith.index_cast %parallel_loop3A_279 : i32 to index
        %parallel_loop3A_496 = arith.constant 304 : index
        %parallel_loop3A_497 = tpu.vector_load %arg8[%parallel_loop3A_494, %parallel_loop3A_495, %parallel_loop3A_496] {strides = array<i32>} : memref<4x16x768xf32, #tpu.memory_space<vmem>>, vector<1x1x16xf32>,
        %parallel_loop3A_498 = vector.shape_cast %parallel_loop3A_497 : vector<1x1x16xf32> to vector<16xf32>
        %parallel_loop3A_499 = vector.shape_cast %parallel_loop3A_493 : vector<16xf32> to vector<1x1x16xf32>
        tpu.vector_store %arg8[%parallel_loop3A_494, %parallel_loop3A_495, %parallel_loop3A_496], %parallel_loop3A_499 {add = true, strides = array<i32>} : memref<4x16x768xf32, #tpu.memory_space<vmem>>, vector<1x1x16xf32>,
        %parallel_loop3A_500 = arith.addi %mul3A_249, %parallel_loop3A_279 : i32
        %parallel_loop3A_501 = arith.index_cast %parallel_loop3A_500 : i32 to index
        %parallel_loop3A_502 = arith.constant 320 : index
        %parallel_loop3A_503 = tpu.vector_load %arg7[%parallel_loop3A_501, %parallel_loop3A_502] {strides = array<i32>} : memref<64x768xf32, #tpu.memory_space<vmem>>, vector<1x16xf32>,
        %parallel_loop3A_504 = vector.shape_cast %parallel_loop3A_503 : vector<1x16xf32> to vector<16xf32>
        %parallel_loop3A_505 = arith.index_cast %rem3A_251 : i32 to index
        %parallel_loop3A_506 = arith.index_cast %parallel_loop3A_279 : i32 to index
        %parallel_loop3A_507 = arith.constant 320 : index
        %parallel_loop3A_508 = tpu.vector_load %arg8[%parallel_loop3A_505, %parallel_loop3A_506, %parallel_loop3A_507] {strides = array<i32>} : memref<4x16x768xf32, #tpu.memory_space<vmem>>, vector<1x1x16xf32>,
        %parallel_loop3A_509 = vector.shape_cast %parallel_loop3A_508 : vector<1x1x16xf32> to vector<16xf32>
        %parallel_loop3A_510 = vector.shape_cast %parallel_loop3A_504 : vector<16xf32> to vector<1x1x16xf32>
        tpu.vector_store %arg8[%parallel_loop3A_505, %parallel_loop3A_506, %parallel_loop3A_507], %parallel_loop3A_510 {add = true, strides = array<i32>} : memref<4x16x768xf32, #tpu.memory_space<vmem>>, vector<1x1x16xf32>,
        %parallel_loop3A_511 = arith.addi %mul3A_249, %parallel_loop3A_279 : i32
        %parallel_loop3A_512 = arith.index_cast %parallel_loop3A_511 : i32 to index
        %parallel_loop3A_513 = arith.constant 336 : index
        %parallel_loop3A_514 = tpu.vector_load %arg7[%parallel_loop3A_512, %parallel_loop3A_513] {strides = array<i32>} : memref<64x768xf32, #tpu.memory_space<vmem>>, vector<1x16xf32>,
        %parallel_loop3A_515 = vector.shape_cast %parallel_loop3A_514 : vector<1x16xf32> to vector<16xf32>
        %parallel_loop3A_516 = arith.index_cast %rem3A_251 : i32 to index
        %parallel_loop3A_517 = arith.index_cast %parallel_loop3A_279 : i32 to index
        %parallel_loop3A_518 = arith.constant 336 : index
        %parallel_loop3A_519 = tpu.vector_load %arg8[%parallel_loop3A_516, %parallel_loop3A_517, %parallel_loop3A_518] {strides = array<i32>} : memref<4x16x768xf32, #tpu.memory_space<vmem>>, vector<1x1x16xf32>,
        %parallel_loop3A_520 = vector.shape_cast %parallel_loop3A_519 : vector<1x1x16xf32> to vector<16xf32>
        %parallel_loop3A_521 = vector.shape_cast %parallel_loop3A_515 : vector<16xf32> to vector<1x1x16xf32>
        tpu.vector_store %arg8[%parallel_loop3A_516, %parallel_loop3A_517, %parallel_loop3A_518], %parallel_loop3A_521 {add = true, strides = array<i32>} : memref<4x16x768xf32, #tpu.memory_space<vmem>>, vector<1x1x16xf32>,
        %parallel_loop3A_522 = arith.addi %mul3A_249, %parallel_loop3A_279 : i32
        %parallel_loop3A_523 = arith.index_cast %parallel_loop3A_522 : i32 to index
        %parallel_loop3A_524 = arith.constant 352 : index
        %parallel_loop3A_525 = tpu.vector_load %arg7[%parallel_loop3A_523, %parallel_loop3A_524] {strides = array<i32>} : memref<64x768xf32, #tpu.memory_space<vmem>>, vector<1x16xf32>,
        %parallel_loop3A_526 = vector.shape_cast %parallel_loop3A_525 : vector<1x16xf32> to vector<16xf32>
        %parallel_loop3A_527 = arith.index_cast %rem3A_251 : i32 to index
        %parallel_loop3A_528 = arith.index_cast %parallel_loop3A_279 : i32 to index
        %parallel_loop3A_529 = arith.constant 352 : index
        %parallel_loop3A_530 = tpu.vector_load %arg8[%parallel_loop3A_527, %parallel_loop3A_528, %parallel_loop3A_529] {strides = array<i32>} : memref<4x16x768xf32, #tpu.memory_space<vmem>>, vector<1x1x16xf32>,
        %parallel_loop3A_531 = vector.shape_cast %parallel_loop3A_530 : vector<1x1x16xf32> to vector<16xf32>
        %parallel_loop3A_532 = vector.shape_cast %parallel_loop3A_526 : vector<16xf32> to vector<1x1x16xf32>
        tpu.vector_store %arg8[%parallel_loop3A_527, %parallel_loop3A_528, %parallel_loop3A_529], %parallel_loop3A_532 {add = true, strides = array<i32>} : memref<4x16x768xf32, #tpu.memory_space<vmem>>, vector<1x1x16xf32>,
        %parallel_loop3A_533 = arith.addi %mul3A_249, %parallel_loop3A_279 : i32
        %parallel_loop3A_534 = arith.index_cast %parallel_loop3A_533 : i32 to index
        %parallel_loop3A_535 = arith.constant 368 : index
        %parallel_loop3A_536 = tpu.vector_load %arg7[%parallel_loop3A_534, %parallel_loop3A_535] {strides = array<i32>} : memref<64x768xf32, #tpu.memory_space<vmem>>, vector<1x16xf32>,
        %parallel_loop3A_537 = vector.shape_cast %parallel_loop3A_536 : vector<1x16xf32> to vector<16xf32>
        %parallel_loop3A_538 = arith.index_cast %rem3A_251 : i32 to index
        %parallel_loop3A_539 = arith.index_cast %parallel_loop3A_279 : i32 to index
        %parallel_loop3A_540 = arith.constant 368 : index
        %parallel_loop3A_541 = tpu.vector_load %arg8[%parallel_loop3A_538, %parallel_loop3A_539, %parallel_loop3A_540] {strides = array<i32>} : memref<4x16x768xf32, #tpu.memory_space<vmem>>, vector<1x1x16xf32>,
        %parallel_loop3A_542 = vector.shape_cast %parallel_loop3A_541 : vector<1x1x16xf32> to vector<16xf32>
        %parallel_loop3A_543 = vector.shape_cast %parallel_loop3A_537 : vector<16xf32> to vector<1x1x16xf32>
        tpu.vector_store %arg8[%parallel_loop3A_538, %parallel_loop3A_539, %parallel_loop3A_540], %parallel_loop3A_543 {add = true, strides = array<i32>} : memref<4x16x768xf32, #tpu.memory_space<vmem>>, vector<1x1x16xf32>,
        %parallel_loop3A_544 = arith.addi %mul3A_249, %parallel_loop3A_279 : i32
        %parallel_loop3A_545 = arith.index_cast %parallel_loop3A_544 : i32 to index
        %parallel_loop3A_546 = arith.constant 384 : index
        %parallel_loop3A_547 = tpu.vector_load %arg7[%parallel_loop3A_545, %parallel_loop3A_546] {strides = array<i32>} : memref<64x768xf32, #tpu.memory_space<vmem>>, vector<1x16xf32>,
        %parallel_loop3A_548 = vector.shape_cast %parallel_loop3A_547 : vector<1x16xf32> to vector<16xf32>
        %parallel_loop3A_549 = arith.index_cast %rem3A_251 : i32 to index
        %parallel_loop3A_550 = arith.index_cast %parallel_loop3A_279 : i32 to index
        %parallel_loop3A_551 = arith.constant 384 : index
        %parallel_loop3A_552 = tpu.vector_load %arg8[%parallel_loop3A_549, %parallel_loop3A_550, %parallel_loop3A_551] {strides = array<i32>} : memref<4x16x768xf32, #tpu.memory_space<vmem>>, vector<1x1x16xf32>,
        %parallel_loop3A_553 = vector.shape_cast %parallel_loop3A_552 : vector<1x1x16xf32> to vector<16xf32>
        %parallel_loop3A_554 = vector.shape_cast %parallel_loop3A_548 : vector<16xf32> to vector<1x1x16xf32>
        tpu.vector_store %arg8[%parallel_loop3A_549, %parallel_loop3A_550, %parallel_loop3A_551], %parallel_loop3A_554 {add = true, strides = array<i32>} : memref<4x16x768xf32, #tpu.memory_space<vmem>>, vector<1x1x16xf32>,
        %parallel_loop3A_555 = arith.addi %mul3A_249, %parallel_loop3A_279 : i32
        %parallel_loop3A_556 = arith.index_cast %parallel_loop3A_555 : i32 to index
        %parallel_loop3A_557 = arith.constant 400 : index
        %parallel_loop3A_558 = tpu.vector_load %arg7[%parallel_loop3A_556, %parallel_loop3A_557] {strides = array<i32>} : memref<64x768xf32, #tpu.memory_space<vmem>>, vector<1x16xf32>,
        %parallel_loop3A_559 = vector.shape_cast %parallel_loop3A_558 : vector<1x16xf32> to vector<16xf32>
        %parallel_loop3A_560 = arith.index_cast %rem3A_251 : i32 to index
        %parallel_loop3A_561 = arith.index_cast %parallel_loop3A_279 : i32 to index
        %parallel_loop3A_562 = arith.constant 400 : index
        %parallel_loop3A_563 = tpu.vector_load %arg8[%parallel_loop3A_560, %parallel_loop3A_561, %parallel_loop3A_562] {strides = array<i32>} : memref<4x16x768xf32, #tpu.memory_space<vmem>>, vector<1x1x16xf32>,
        %parallel_loop3A_564 = vector.shape_cast %parallel_loop3A_563 : vector<1x1x16xf32> to vector<16xf32>
        %parallel_loop3A_565 = vector.shape_cast %parallel_loop3A_559 : vector<16xf32> to vector<1x1x16xf32>
        tpu.vector_store %arg8[%parallel_loop3A_560, %parallel_loop3A_561, %parallel_loop3A_562], %parallel_loop3A_565 {add = true, strides = array<i32>} : memref<4x16x768xf32, #tpu.memory_space<vmem>>, vector<1x1x16xf32>,
        %parallel_loop3A_566 = arith.addi %mul3A_249, %parallel_loop3A_279 : i32
        %parallel_loop3A_567 = arith.index_cast %parallel_loop3A_566 : i32 to index
        %parallel_loop3A_568 = arith.constant 416 : index
        %parallel_loop3A_569 = tpu.vector_load %arg7[%parallel_loop3A_567, %parallel_loop3A_568] {strides = array<i32>} : memref<64x768xf32, #tpu.memory_space<vmem>>, vector<1x16xf32>,
        %parallel_loop3A_570 = vector.shape_cast %parallel_loop3A_569 : vector<1x16xf32> to vector<16xf32>
        %parallel_loop3A_571 = arith.index_cast %rem3A_251 : i32 to index
        %parallel_loop3A_572 = arith.index_cast %parallel_loop3A_279 : i32 to index
        %parallel_loop3A_573 = arith.constant 416 : index
        %parallel_loop3A_574 = tpu.vector_load %arg8[%parallel_loop3A_571, %parallel_loop3A_572, %parallel_loop3A_573] {strides = array<i32>} : memref<4x16x768xf32, #tpu.memory_space<vmem>>, vector<1x1x16xf32>,
        %parallel_loop3A_575 = vector.shape_cast %parallel_loop3A_574 : vector<1x1x16xf32> to vector<16xf32>
        %parallel_loop3A_576 = vector.shape_cast %parallel_loop3A_570 : vector<16xf32> to vector<1x1x16xf32>
        tpu.vector_store %arg8[%parallel_loop3A_571, %parallel_loop3A_572, %parallel_loop3A_573], %parallel_loop3A_576 {add = true, strides = array<i32>} : memref<4x16x768xf32, #tpu.memory_space<vmem>>, vector<1x1x16xf32>,
        %parallel_loop3A_577 = arith.addi %mul3A_249, %parallel_loop3A_279 : i32
        %parallel_loop3A_578 = arith.index_cast %parallel_loop3A_577 : i32 to index
        %parallel_loop3A_579 = arith.constant 432 : index
        %parallel_loop3A_580 = tpu.vector_load %arg7[%parallel_loop3A_578, %parallel_loop3A_579] {strides = array<i32>} : memref<64x768xf32, #tpu.memory_space<vmem>>, vector<1x16xf32>,
        %parallel_loop3A_581 = vector.shape_cast %parallel_loop3A_580 : vector<1x16xf32> to vector<16xf32>
        %parallel_loop3A_582 = arith.index_cast %rem3A_251 : i32 to index
        %parallel_loop3A_583 = arith.index_cast %parallel_loop3A_279 : i32 to index
        %parallel_loop3A_584 = arith.constant 432 : index
        %parallel_loop3A_585 = tpu.vector_load %arg8[%parallel_loop3A_582, %parallel_loop3A_583, %parallel_loop3A_584] {strides = array<i32>} : memref<4x16x768xf32, #tpu.memory_space<vmem>>, vector<1x1x16xf32>,
        %parallel_loop3A_586 = vector.shape_cast %parallel_loop3A_585 : vector<1x1x16xf32> to vector<16xf32>
        %parallel_loop3A_587 = vector.shape_cast %parallel_loop3A_581 : vector<16xf32> to vector<1x1x16xf32>
        tpu.vector_store %arg8[%parallel_loop3A_582, %parallel_loop3A_583, %parallel_loop3A_584], %parallel_loop3A_587 {add = true, strides = array<i32>} : memref<4x16x768xf32, #tpu.memory_space<vmem>>, vector<1x1x16xf32>,
        %parallel_loop3A_588 = arith.addi %mul3A_249, %parallel_loop3A_279 : i32
        %parallel_loop3A_589 = arith.index_cast %parallel_loop3A_588 : i32 to index
        %parallel_loop3A_590 = arith.constant 448 : index
        %parallel_loop3A_591 = tpu.vector_load %arg7[%parallel_loop3A_589, %parallel_loop3A_590] {strides = array<i32>} : memref<64x768xf32, #tpu.memory_space<vmem>>, vector<1x16xf32>,
        %parallel_loop3A_592 = vector.shape_cast %parallel_loop3A_591 : vector<1x16xf32> to vector<16xf32>
        %parallel_loop3A_593 = arith.index_cast %rem3A_251 : i32 to index
        %parallel_loop3A_594 = arith.index_cast %parallel_loop3A_279 : i32 to index
        %parallel_loop3A_595 = arith.constant 448 : index
        %parallel_loop3A_596 = tpu.vector_load %arg8[%parallel_loop3A_593, %parallel_loop3A_594, %parallel_loop3A_595] {strides = array<i32>} : memref<4x16x768xf32, #tpu.memory_space<vmem>>, vector<1x1x16xf32>,
        %parallel_loop3A_597 = vector.shape_cast %parallel_loop3A_596 : vector<1x1x16xf32> to vector<16xf32>
        %parallel_loop3A_598 = vector.shape_cast %parallel_loop3A_592 : vector<16xf32> to vector<1x1x16xf32>
        tpu.vector_store %arg8[%parallel_loop3A_593, %parallel_loop3A_594, %parallel_loop3A_595], %parallel_loop3A_598 {add = true, strides = array<i32>} : memref<4x16x768xf32, #tpu.memory_space<vmem>>, vector<1x1x16xf32>,
        %parallel_loop3A_599 = arith.addi %mul3A_249, %parallel_loop3A_279 : i32
        %parallel_loop3A_600 = arith.index_cast %parallel_loop3A_599 : i32 to index
        %parallel_loop3A_601 = arith.constant 464 : index
        %parallel_loop3A_602 = tpu.vector_load %arg7[%parallel_loop3A_600, %parallel_loop3A_601] {strides = array<i32>} : memref<64x768xf32, #tpu.memory_space<vmem>>, vector<1x16xf32>,
        %parallel_loop3A_603 = vector.shape_cast %parallel_loop3A_602 : vector<1x16xf32> to vector<16xf32>
        %parallel_loop3A_604 = arith.index_cast %rem3A_251 : i32 to index
        %parallel_loop3A_605 = arith.index_cast %parallel_loop3A_279 : i32 to index
        %parallel_loop3A_606 = arith.constant 464 : index
        %parallel_loop3A_607 = tpu.vector_load %arg8[%parallel_loop3A_604, %parallel_loop3A_605, %parallel_loop3A_606] {strides = array<i32>} : memref<4x16x768xf32, #tpu.memory_space<vmem>>, vector<1x1x16xf32>,
        %parallel_loop3A_608 = vector.shape_cast %parallel_loop3A_607 : vector<1x1x16xf32> to vector<16xf32>
        %parallel_loop3A_609 = vector.shape_cast %parallel_loop3A_603 : vector<16xf32> to vector<1x1x16xf32>
        tpu.vector_store %arg8[%parallel_loop3A_604, %parallel_loop3A_605, %parallel_loop3A_606], %parallel_loop3A_609 {add = true, strides = array<i32>} : memref<4x16x768xf32, #tpu.memory_space<vmem>>, vector<1x1x16xf32>,
        %parallel_loop3A_610 = arith.addi %mul3A_249, %parallel_loop3A_279 : i32
        %parallel_loop3A_611 = arith.index_cast %parallel_loop3A_610 : i32 to index
        %parallel_loop3A_612 = arith.constant 480 : index
        %parallel_loop3A_613 = tpu.vector_load %arg7[%parallel_loop3A_611, %parallel_loop3A_612] {strides = array<i32>} : memref<64x768xf32, #tpu.memory_space<vmem>>, vector<1x16xf32>,
        %parallel_loop3A_614 = vector.shape_cast %parallel_loop3A_613 : vector<1x16xf32> to vector<16xf32>
        %parallel_loop3A_615 = arith.index_cast %rem3A_251 : i32 to index
        %parallel_loop3A_616 = arith.index_cast %parallel_loop3A_279 : i32 to index
        %parallel_loop3A_617 = arith.constant 480 : index
        %parallel_loop3A_618 = tpu.vector_load %arg8[%parallel_loop3A_615, %parallel_loop3A_616, %parallel_loop3A_617] {strides = array<i32>} : memref<4x16x768xf32, #tpu.memory_space<vmem>>, vector<1x1x16xf32>,
        %parallel_loop3A_619 = vector.shape_cast %parallel_loop3A_618 : vector<1x1x16xf32> to vector<16xf32>
        %parallel_loop3A_620 = vector.shape_cast %parallel_loop3A_614 : vector<16xf32> to vector<1x1x16xf32>
        tpu.vector_store %arg8[%parallel_loop3A_615, %parallel_loop3A_616, %parallel_loop3A_617], %parallel_loop3A_620 {add = true, strides = array<i32>} : memref<4x16x768xf32, #tpu.memory_space<vmem>>, vector<1x1x16xf32>,
        %parallel_loop3A_621 = arith.addi %mul3A_249, %parallel_loop3A_279 : i32
        %parallel_loop3A_622 = arith.index_cast %parallel_loop3A_621 : i32 to index
        %parallel_loop3A_623 = arith.constant 496 : index
        %parallel_loop3A_624 = tpu.vector_load %arg7[%parallel_loop3A_622, %parallel_loop3A_623] {strides = array<i32>} : memref<64x768xf32, #tpu.memory_space<vmem>>, vector<1x16xf32>,
        %parallel_loop3A_625 = vector.shape_cast %parallel_loop3A_624 : vector<1x16xf32> to vector<16xf32>
        %parallel_loop3A_626 = arith.index_cast %rem3A_251 : i32 to index
        %parallel_loop3A_627 = arith.index_cast %parallel_loop3A_279 : i32 to index
        %parallel_loop3A_628 = arith.constant 496 : index
        %parallel_loop3A_629 = tpu.vector_load %arg8[%parallel_loop3A_626, %parallel_loop3A_627, %parallel_loop3A_628] {strides = array<i32>} : memref<4x16x768xf32, #tpu.memory_space<vmem>>, vector<1x1x16xf32>,
        %parallel_loop3A_630 = vector.shape_cast %parallel_loop3A_629 : vector<1x1x16xf32> to vector<16xf32>
        %parallel_loop3A_631 = vector.shape_cast %parallel_loop3A_625 : vector<16xf32> to vector<1x1x16xf32>
        tpu.vector_store %arg8[%parallel_loop3A_626, %parallel_loop3A_627, %parallel_loop3A_628], %parallel_loop3A_631 {add = true, strides = array<i32>} : memref<4x16x768xf32, #tpu.memory_space<vmem>>, vector<1x1x16xf32>,
        %parallel_loop3A_632 = arith.addi %mul3A_249, %parallel_loop3A_279 : i32
        %parallel_loop3A_633 = arith.index_cast %parallel_loop3A_632 : i32 to index
        %parallel_loop3A_634 = arith.constant 512 : index
        %parallel_loop3A_635 = tpu.vector_load %arg7[%parallel_loop3A_633, %parallel_loop3A_634] {strides = array<i32>} : memref<64x768xf32, #tpu.memory_space<vmem>>, vector<1x16xf32>,
        %parallel_loop3A_636 = vector.shape_cast %parallel_loop3A_635 : vector<1x16xf32> to vector<16xf32>
        %parallel_loop3A_637 = arith.index_cast %rem3A_251 : i32 to index
        %parallel_loop3A_638 = arith.index_cast %parallel_loop3A_279 : i32 to index
        %parallel_loop3A_639 = arith.constant 512 : index
        %parallel_loop3A_640 = tpu.vector_load %arg8[%parallel_loop3A_637, %parallel_loop3A_638, %parallel_loop3A_639] {strides = array<i32>} : memref<4x16x768xf32, #tpu.memory_space<vmem>>, vector<1x1x16xf32>,
        %parallel_loop3A_641 = vector.shape_cast %parallel_loop3A_640 : vector<1x1x16xf32> to vector<16xf32>
        %parallel_loop3A_642 = vector.shape_cast %parallel_loop3A_636 : vector<16xf32> to vector<1x1x16xf32>
        tpu.vector_store %arg8[%parallel_loop3A_637, %parallel_loop3A_638, %parallel_loop3A_639], %parallel_loop3A_642 {add = true, strides = array<i32>} : memref<4x16x768xf32, #tpu.memory_space<vmem>>, vector<1x1x16xf32>,
        %parallel_loop3A_643 = arith.addi %mul3A_249, %parallel_loop3A_279 : i32
        %parallel_loop3A_644 = arith.index_cast %parallel_loop3A_643 : i32 to index
        %parallel_loop3A_645 = arith.constant 528 : index
        %parallel_loop3A_646 = tpu.vector_load %arg7[%parallel_loop3A_644, %parallel_loop3A_645] {strides = array<i32>} : memref<64x768xf32, #tpu.memory_space<vmem>>, vector<1x16xf32>,
        %parallel_loop3A_647 = vector.shape_cast %parallel_loop3A_646 : vector<1x16xf32> to vector<16xf32>
        %parallel_loop3A_648 = arith.index_cast %rem3A_251 : i32 to index
        %parallel_loop3A_649 = arith.index_cast %parallel_loop3A_279 : i32 to index
        %parallel_loop3A_650 = arith.constant 528 : index
        %parallel_loop3A_651 = tpu.vector_load %arg8[%parallel_loop3A_648, %parallel_loop3A_649, %parallel_loop3A_650] {strides = array<i32>} : memref<4x16x768xf32, #tpu.memory_space<vmem>>, vector<1x1x16xf32>,
        %parallel_loop3A_652 = vector.shape_cast %parallel_loop3A_651 : vector<1x1x16xf32> to vector<16xf32>
        %parallel_loop3A_653 = vector.shape_cast %parallel_loop3A_647 : vector<16xf32> to vector<1x1x16xf32>
        tpu.vector_store %arg8[%parallel_loop3A_648, %parallel_loop3A_649, %parallel_loop3A_650], %parallel_loop3A_653 {add = true, strides = array<i32>} : memref<4x16x768xf32, #tpu.memory_space<vmem>>, vector<1x1x16xf32>,
        %parallel_loop3A_654 = arith.addi %mul3A_249, %parallel_loop3A_279 : i32
        %parallel_loop3A_655 = arith.index_cast %parallel_loop3A_654 : i32 to index
        %parallel_loop3A_656 = arith.constant 544 : index
        %parallel_loop3A_657 = tpu.vector_load %arg7[%parallel_loop3A_655, %parallel_loop3A_656] {strides = array<i32>} : memref<64x768xf32, #tpu.memory_space<vmem>>, vector<1x16xf32>,
        %parallel_loop3A_658 = vector.shape_cast %parallel_loop3A_657 : vector<1x16xf32> to vector<16xf32>
        %parallel_loop3A_659 = arith.index_cast %rem3A_251 : i32 to index
        %parallel_loop3A_660 = arith.index_cast %parallel_loop3A_279 : i32 to index
        %parallel_loop3A_661 = arith.constant 544 : index
        %parallel_loop3A_662 = tpu.vector_load %arg8[%parallel_loop3A_659, %parallel_loop3A_660, %parallel_loop3A_661] {strides = array<i32>} : memref<4x16x768xf32, #tpu.memory_space<vmem>>, vector<1x1x16xf32>,
        %parallel_loop3A_663 = vector.shape_cast %parallel_loop3A_662 : vector<1x1x16xf32> to vector<16xf32>
        %parallel_loop3A_664 = vector.shape_cast %parallel_loop3A_658 : vector<16xf32> to vector<1x1x16xf32>
        tpu.vector_store %arg8[%parallel_loop3A_659, %parallel_loop3A_660, %parallel_loop3A_661], %parallel_loop3A_664 {add = true, strides = array<i32>} : memref<4x16x768xf32, #tpu.memory_space<vmem>>, vector<1x1x16xf32>,
        %parallel_loop3A_665 = arith.addi %mul3A_249, %parallel_loop3A_279 : i32
        %parallel_loop3A_666 = arith.index_cast %parallel_loop3A_665 : i32 to index
        %parallel_loop3A_667 = arith.constant 560 : index
        %parallel_loop3A_668 = tpu.vector_load %arg7[%parallel_loop3A_666, %parallel_loop3A_667] {strides = array<i32>} : memref<64x768xf32, #tpu.memory_space<vmem>>, vector<1x16xf32>,
        %parallel_loop3A_669 = vector.shape_cast %parallel_loop3A_668 : vector<1x16xf32> to vector<16xf32>
        %parallel_loop3A_670 = arith.index_cast %rem3A_251 : i32 to index
        %parallel_loop3A_671 = arith.index_cast %parallel_loop3A_279 : i32 to index
        %parallel_loop3A_672 = arith.constant 560 : index
        %parallel_loop3A_673 = tpu.vector_load %arg8[%parallel_loop3A_670, %parallel_loop3A_671, %parallel_loop3A_672] {strides = array<i32>} : memref<4x16x768xf32, #tpu.memory_space<vmem>>, vector<1x1x16xf32>,
        %parallel_loop3A_674 = vector.shape_cast %parallel_loop3A_673 : vector<1x1x16xf32> to vector<16xf32>
        %parallel_loop3A_675 = vector.shape_cast %parallel_loop3A_669 : vector<16xf32> to vector<1x1x16xf32>
        tpu.vector_store %arg8[%parallel_loop3A_670, %parallel_loop3A_671, %parallel_loop3A_672], %parallel_loop3A_675 {add = true, strides = array<i32>} : memref<4x16x768xf32, #tpu.memory_space<vmem>>, vector<1x1x16xf32>,
        %parallel_loop3A_676 = arith.addi %mul3A_249, %parallel_loop3A_279 : i32
        %parallel_loop3A_677 = arith.index_cast %parallel_loop3A_676 : i32 to index
        %parallel_loop3A_678 = arith.constant 576 : index
        %parallel_loop3A_679 = tpu.vector_load %arg7[%parallel_loop3A_677, %parallel_loop3A_678] {strides = array<i32>} : memref<64x768xf32, #tpu.memory_space<vmem>>, vector<1x16xf32>,
        %parallel_loop3A_680 = vector.shape_cast %parallel_loop3A_679 : vector<1x16xf32> to vector<16xf32>
        %parallel_loop3A_681 = arith.index_cast %rem3A_251 : i32 to index
        %parallel_loop3A_682 = arith.index_cast %parallel_loop3A_279 : i32 to index
        %parallel_loop3A_683 = arith.constant 576 : index
        %parallel_loop3A_684 = tpu.vector_load %arg8[%parallel_loop3A_681, %parallel_loop3A_682, %parallel_loop3A_683] {strides = array<i32>} : memref<4x16x768xf32, #tpu.memory_space<vmem>>, vector<1x1x16xf32>,
        %parallel_loop3A_685 = vector.shape_cast %parallel_loop3A_684 : vector<1x1x16xf32> to vector<16xf32>
        %parallel_loop3A_686 = vector.shape_cast %parallel_loop3A_680 : vector<16xf32> to vector<1x1x16xf32>
        tpu.vector_store %arg8[%parallel_loop3A_681, %parallel_loop3A_682, %parallel_loop3A_683], %parallel_loop3A_686 {add = true, strides = array<i32>} : memref<4x16x768xf32, #tpu.memory_space<vmem>>, vector<1x1x16xf32>,
        %parallel_loop3A_687 = arith.addi %mul3A_249, %parallel_loop3A_279 : i32
        %parallel_loop3A_688 = arith.index_cast %parallel_loop3A_687 : i32 to index
        %parallel_loop3A_689 = arith.constant 592 : index
        %parallel_loop3A_690 = tpu.vector_load %arg7[%parallel_loop3A_688, %parallel_loop3A_689] {strides = array<i32>} : memref<64x768xf32, #tpu.memory_space<vmem>>, vector<1x16xf32>,
        %parallel_loop3A_691 = vector.shape_cast %parallel_loop3A_690 : vector<1x16xf32> to vector<16xf32>
        %parallel_loop3A_692 = arith.index_cast %rem3A_251 : i32 to index
        %parallel_loop3A_693 = arith.index_cast %parallel_loop3A_279 : i32 to index
        %parallel_loop3A_694 = arith.constant 592 : index
        %parallel_loop3A_695 = tpu.vector_load %arg8[%parallel_loop3A_692, %parallel_loop3A_693, %parallel_loop3A_694] {strides = array<i32>} : memref<4x16x768xf32, #tpu.memory_space<vmem>>, vector<1x1x16xf32>,
        %parallel_loop3A_696 = vector.shape_cast %parallel_loop3A_695 : vector<1x1x16xf32> to vector<16xf32>
        %parallel_loop3A_697 = vector.shape_cast %parallel_loop3A_691 : vector<16xf32> to vector<1x1x16xf32>
        tpu.vector_store %arg8[%parallel_loop3A_692, %parallel_loop3A_693, %parallel_loop3A_694], %parallel_loop3A_697 {add = true, strides = array<i32>} : memref<4x16x768xf32, #tpu.memory_space<vmem>>, vector<1x1x16xf32>,
        %parallel_loop3A_698 = arith.addi %mul3A_249, %parallel_loop3A_279 : i32
        %parallel_loop3A_699 = arith.index_cast %parallel_loop3A_698 : i32 to index
        %parallel_loop3A_700 = arith.constant 608 : index
        %parallel_loop3A_701 = tpu.vector_load %arg7[%parallel_loop3A_699, %parallel_loop3A_700] {strides = array<i32>} : memref<64x768xf32, #tpu.memory_space<vmem>>, vector<1x16xf32>,
        %parallel_loop3A_702 = vector.shape_cast %parallel_loop3A_701 : vector<1x16xf32> to vector<16xf32>
        %parallel_loop3A_703 = arith.index_cast %rem3A_251 : i32 to index
        %parallel_loop3A_704 = arith.index_cast %parallel_loop3A_279 : i32 to index
        %parallel_loop3A_705 = arith.constant 608 : index
        %parallel_loop3A_706 = tpu.vector_load %arg8[%parallel_loop3A_703, %parallel_loop3A_704, %parallel_loop3A_705] {strides = array<i32>} : memref<4x16x768xf32, #tpu.memory_space<vmem>>, vector<1x1x16xf32>,
        %parallel_loop3A_707 = vector.shape_cast %parallel_loop3A_706 : vector<1x1x16xf32> to vector<16xf32>
        %parallel_loop3A_708 = vector.shape_cast %parallel_loop3A_702 : vector<16xf32> to vector<1x1x16xf32>
        tpu.vector_store %arg8[%parallel_loop3A_703, %parallel_loop3A_704, %parallel_loop3A_705], %parallel_loop3A_708 {add = true, strides = array<i32>} : memref<4x16x768xf32, #tpu.memory_space<vmem>>, vector<1x1x16xf32>,
        %parallel_loop3A_709 = arith.addi %mul3A_249, %parallel_loop3A_279 : i32
        %parallel_loop3A_710 = arith.index_cast %parallel_loop3A_709 : i32 to index
        %parallel_loop3A_711 = arith.constant 624 : index
        %parallel_loop3A_712 = tpu.vector_load %arg7[%parallel_loop3A_710, %parallel_loop3A_711] {strides = array<i32>} : memref<64x768xf32, #tpu.memory_space<vmem>>, vector<1x16xf32>,
        %parallel_loop3A_713 = vector.shape_cast %parallel_loop3A_712 : vector<1x16xf32> to vector<16xf32>
        %parallel_loop3A_714 = arith.index_cast %rem3A_251 : i32 to index
        %parallel_loop3A_715 = arith.index_cast %parallel_loop3A_279 : i32 to index
        %parallel_loop3A_716 = arith.constant 624 : index
        %parallel_loop3A_717 = tpu.vector_load %arg8[%parallel_loop3A_714, %parallel_loop3A_715, %parallel_loop3A_716] {strides = array<i32>} : memref<4x16x768xf32, #tpu.memory_space<vmem>>, vector<1x1x16xf32>,
        %parallel_loop3A_718 = vector.shape_cast %parallel_loop3A_717 : vector<1x1x16xf32> to vector<16xf32>
        %parallel_loop3A_719 = vector.shape_cast %parallel_loop3A_713 : vector<16xf32> to vector<1x1x16xf32>
        tpu.vector_store %arg8[%parallel_loop3A_714, %parallel_loop3A_715, %parallel_loop3A_716], %parallel_loop3A_719 {add = true, strides = array<i32>} : memref<4x16x768xf32, #tpu.memory_space<vmem>>, vector<1x1x16xf32>,
        %parallel_loop3A_720 = arith.addi %mul3A_249, %parallel_loop3A_279 : i32
        %parallel_loop3A_721 = arith.index_cast %parallel_loop3A_720 : i32 to index
        %parallel_loop3A_722 = arith.constant 640 : index
        %parallel_loop3A_723 = tpu.vector_load %arg7[%parallel_loop3A_721, %parallel_loop3A_722] {strides = array<i32>} : memref<64x768xf32, #tpu.memory_space<vmem>>, vector<1x16xf32>,
        %parallel_loop3A_724 = vector.shape_cast %parallel_loop3A_723 : vector<1x16xf32> to vector<16xf32>
        %parallel_loop3A_725 = arith.index_cast %rem3A_251 : i32 to index
        %parallel_loop3A_726 = arith.index_cast %parallel_loop3A_279 : i32 to index
        %parallel_loop3A_727 = arith.constant 640 : index
        %parallel_loop3A_728 = tpu.vector_load %arg8[%parallel_loop3A_725, %parallel_loop3A_726, %parallel_loop3A_727] {strides = array<i32>} : memref<4x16x768xf32, #tpu.memory_space<vmem>>, vector<1x1x16xf32>,
        %parallel_loop3A_729 = vector.shape_cast %parallel_loop3A_728 : vector<1x1x16xf32> to vector<16xf32>
        %parallel_loop3A_730 = vector.shape_cast %parallel_loop3A_724 : vector<16xf32> to vector<1x1x16xf32>
        tpu.vector_store %arg8[%parallel_loop3A_725, %parallel_loop3A_726, %parallel_loop3A_727], %parallel_loop3A_730 {add = true, strides = array<i32>} : memref<4x16x768xf32, #tpu.memory_space<vmem>>, vector<1x1x16xf32>,
        %parallel_loop3A_731 = arith.addi %mul3A_249, %parallel_loop3A_279 : i32
        %parallel_loop3A_732 = arith.index_cast %parallel_loop3A_731 : i32 to index
        %parallel_loop3A_733 = arith.constant 656 : index
        %parallel_loop3A_734 = tpu.vector_load %arg7[%parallel_loop3A_732, %parallel_loop3A_733] {strides = array<i32>} : memref<64x768xf32, #tpu.memory_space<vmem>>, vector<1x16xf32>,
        %parallel_loop3A_735 = vector.shape_cast %parallel_loop3A_734 : vector<1x16xf32> to vector<16xf32>
        %parallel_loop3A_736 = arith.index_cast %rem3A_251 : i32 to index
        %parallel_loop3A_737 = arith.index_cast %parallel_loop3A_279 : i32 to index
        %parallel_loop3A_738 = arith.constant 656 : index
        %parallel_loop3A_739 = tpu.vector_load %arg8[%parallel_loop3A_736, %parallel_loop3A_737, %parallel_loop3A_738] {strides = array<i32>} : memref<4x16x768xf32, #tpu.memory_space<vmem>>, vector<1x1x16xf32>,
        %parallel_loop3A_740 = vector.shape_cast %parallel_loop3A_739 : vector<1x1x16xf32> to vector<16xf32>
        %parallel_loop3A_741 = vector.shape_cast %parallel_loop3A_735 : vector<16xf32> to vector<1x1x16xf32>
        tpu.vector_store %arg8[%parallel_loop3A_736, %parallel_loop3A_737, %parallel_loop3A_738], %parallel_loop3A_741 {add = true, strides = array<i32>} : memref<4x16x768xf32, #tpu.memory_space<vmem>>, vector<1x1x16xf32>,
        %parallel_loop3A_742 = arith.addi %mul3A_249, %parallel_loop3A_279 : i32
        %parallel_loop3A_743 = arith.index_cast %parallel_loop3A_742 : i32 to index
        %parallel_loop3A_744 = arith.constant 672 : index
        %parallel_loop3A_745 = tpu.vector_load %arg7[%parallel_loop3A_743, %parallel_loop3A_744] {strides = array<i32>} : memref<64x768xf32, #tpu.memory_space<vmem>>, vector<1x16xf32>,
        %parallel_loop3A_746 = vector.shape_cast %parallel_loop3A_745 : vector<1x16xf32> to vector<16xf32>
        %parallel_loop3A_747 = arith.index_cast %rem3A_251 : i32 to index
        %parallel_loop3A_748 = arith.index_cast %parallel_loop3A_279 : i32 to index
        %parallel_loop3A_749 = arith.constant 672 : index
        %parallel_loop3A_750 = tpu.vector_load %arg8[%parallel_loop3A_747, %parallel_loop3A_748, %parallel_loop3A_749] {strides = array<i32>} : memref<4x16x768xf32, #tpu.memory_space<vmem>>, vector<1x1x16xf32>,
        %parallel_loop3A_751 = vector.shape_cast %parallel_loop3A_750 : vector<1x1x16xf32> to vector<16xf32>
        %parallel_loop3A_752 = vector.shape_cast %parallel_loop3A_746 : vector<16xf32> to vector<1x1x16xf32>
        tpu.vector_store %arg8[%parallel_loop3A_747, %parallel_loop3A_748, %parallel_loop3A_749], %parallel_loop3A_752 {add = true, strides = array<i32>} : memref<4x16x768xf32, #tpu.memory_space<vmem>>, vector<1x1x16xf32>,
        %parallel_loop3A_753 = arith.addi %mul3A_249, %parallel_loop3A_279 : i32
        %parallel_loop3A_754 = arith.index_cast %parallel_loop3A_753 : i32 to index
        %parallel_loop3A_755 = arith.constant 688 : index
        %parallel_loop3A_756 = tpu.vector_load %arg7[%parallel_loop3A_754, %parallel_loop3A_755] {strides = array<i32>} : memref<64x768xf32, #tpu.memory_space<vmem>>, vector<1x16xf32>,
        %parallel_loop3A_757 = vector.shape_cast %parallel_loop3A_756 : vector<1x16xf32> to vector<16xf32>
        %parallel_loop3A_758 = arith.index_cast %rem3A_251 : i32 to index
        %parallel_loop3A_759 = arith.index_cast %parallel_loop3A_279 : i32 to index
        %parallel_loop3A_760 = arith.constant 688 : index
        %parallel_loop3A_761 = tpu.vector_load %arg8[%parallel_loop3A_758, %parallel_loop3A_759, %parallel_loop3A_760] {strides = array<i32>} : memref<4x16x768xf32, #tpu.memory_space<vmem>>, vector<1x1x16xf32>,
        %parallel_loop3A_762 = vector.shape_cast %parallel_loop3A_761 : vector<1x1x16xf32> to vector<16xf32>
        %parallel_loop3A_763 = vector.shape_cast %parallel_loop3A_757 : vector<16xf32> to vector<1x1x16xf32>
        tpu.vector_store %arg8[%parallel_loop3A_758, %parallel_loop3A_759, %parallel_loop3A_760], %parallel_loop3A_763 {add = true, strides = array<i32>} : memref<4x16x768xf32, #tpu.memory_space<vmem>>, vector<1x1x16xf32>,
        %parallel_loop3A_764 = arith.addi %mul3A_249, %parallel_loop3A_279 : i32
        %parallel_loop3A_765 = arith.index_cast %parallel_loop3A_764 : i32 to index
        %parallel_loop3A_766 = arith.constant 704 : index
        %parallel_loop3A_767 = tpu.vector_load %arg7[%parallel_loop3A_765, %parallel_loop3A_766] {strides = array<i32>} : memref<64x768xf32, #tpu.memory_space<vmem>>, vector<1x16xf32>,
        %parallel_loop3A_768 = vector.shape_cast %parallel_loop3A_767 : vector<1x16xf32> to vector<16xf32>
        %parallel_loop3A_769 = arith.index_cast %rem3A_251 : i32 to index
        %parallel_loop3A_770 = arith.index_cast %parallel_loop3A_279 : i32 to index
        %parallel_loop3A_771 = arith.constant 704 : index
        %parallel_loop3A_772 = tpu.vector_load %arg8[%parallel_loop3A_769, %parallel_loop3A_770, %parallel_loop3A_771] {strides = array<i32>} : memref<4x16x768xf32, #tpu.memory_space<vmem>>, vector<1x1x16xf32>,
        %parallel_loop3A_773 = vector.shape_cast %parallel_loop3A_772 : vector<1x1x16xf32> to vector<16xf32>
        %parallel_loop3A_774 = vector.shape_cast %parallel_loop3A_768 : vector<16xf32> to vector<1x1x16xf32>
        tpu.vector_store %arg8[%parallel_loop3A_769, %parallel_loop3A_770, %parallel_loop3A_771], %parallel_loop3A_774 {add = true, strides = array<i32>} : memref<4x16x768xf32, #tpu.memory_space<vmem>>, vector<1x1x16xf32>,
        %parallel_loop3A_775 = arith.addi %mul3A_249, %parallel_loop3A_279 : i32
        %parallel_loop3A_776 = arith.index_cast %parallel_loop3A_775 : i32 to index
        %parallel_loop3A_777 = arith.constant 720 : index
        %parallel_loop3A_778 = tpu.vector_load %arg7[%parallel_loop3A_776, %parallel_loop3A_777] {strides = array<i32>} : memref<64x768xf32, #tpu.memory_space<vmem>>, vector<1x16xf32>,
        %parallel_loop3A_779 = vector.shape_cast %parallel_loop3A_778 : vector<1x16xf32> to vector<16xf32>
        %parallel_loop3A_780 = arith.index_cast %rem3A_251 : i32 to index
        %parallel_loop3A_781 = arith.index_cast %parallel_loop3A_279 : i32 to index
        %parallel_loop3A_782 = arith.constant 720 : index
        %parallel_loop3A_783 = tpu.vector_load %arg8[%parallel_loop3A_780, %parallel_loop3A_781, %parallel_loop3A_782] {strides = array<i32>} : memref<4x16x768xf32, #tpu.memory_space<vmem>>, vector<1x1x16xf32>,
        %parallel_loop3A_784 = vector.shape_cast %parallel_loop3A_783 : vector<1x1x16xf32> to vector<16xf32>
        %parallel_loop3A_785 = vector.shape_cast %parallel_loop3A_779 : vector<16xf32> to vector<1x1x16xf32>
        tpu.vector_store %arg8[%parallel_loop3A_780, %parallel_loop3A_781, %parallel_loop3A_782], %parallel_loop3A_785 {add = true, strides = array<i32>} : memref<4x16x768xf32, #tpu.memory_space<vmem>>, vector<1x1x16xf32>,
        %parallel_loop3A_786 = arith.addi %mul3A_249, %parallel_loop3A_279 : i32
        %parallel_loop3A_787 = arith.index_cast %parallel_loop3A_786 : i32 to index
        %parallel_loop3A_788 = arith.constant 736 : index
        %parallel_loop3A_789 = tpu.vector_load %arg7[%parallel_loop3A_787, %parallel_loop3A_788] {strides = array<i32>} : memref<64x768xf32, #tpu.memory_space<vmem>>, vector<1x16xf32>,
        %parallel_loop3A_790 = vector.shape_cast %parallel_loop3A_789 : vector<1x16xf32> to vector<16xf32>
        %parallel_loop3A_791 = arith.index_cast %rem3A_251 : i32 to index
        %parallel_loop3A_792 = arith.index_cast %parallel_loop3A_279 : i32 to index
        %parallel_loop3A_793 = arith.constant 736 : index
        %parallel_loop3A_794 = tpu.vector_load %arg8[%parallel_loop3A_791, %parallel_loop3A_792, %parallel_loop3A_793] {strides = array<i32>} : memref<4x16x768xf32, #tpu.memory_space<vmem>>, vector<1x1x16xf32>,
        %parallel_loop3A_795 = vector.shape_cast %parallel_loop3A_794 : vector<1x1x16xf32> to vector<16xf32>
        %parallel_loop3A_796 = vector.shape_cast %parallel_loop3A_790 : vector<16xf32> to vector<1x1x16xf32>
        tpu.vector_store %arg8[%parallel_loop3A_791, %parallel_loop3A_792, %parallel_loop3A_793], %parallel_loop3A_796 {add = true, strides = array<i32>} : memref<4x16x768xf32, #tpu.memory_space<vmem>>, vector<1x1x16xf32>,
        %parallel_loop3A_797 = arith.addi %mul3A_249, %parallel_loop3A_279 : i32
        %parallel_loop3A_798 = arith.index_cast %parallel_loop3A_797 : i32 to index
        %parallel_loop3A_799 = arith.constant 752 : index
        %parallel_loop3A_800 = tpu.vector_load %arg7[%parallel_loop3A_798, %parallel_loop3A_799] {strides = array<i32>} : memref<64x768xf32, #tpu.memory_space<vmem>>, vector<1x16xf32>,
        %parallel_loop3A_801 = vector.shape_cast %parallel_loop3A_800 : vector<1x16xf32> to vector<16xf32>
        %parallel_loop3A_802 = arith.index_cast %rem3A_251 : i32 to index
        %parallel_loop3A_803 = arith.index_cast %parallel_loop3A_279 : i32 to index
        %parallel_loop3A_804 = arith.constant 752 : index
        %parallel_loop3A_805 = tpu.vector_load %arg8[%parallel_loop3A_802, %parallel_loop3A_803, %parallel_loop3A_804] {strides = array<i32>} : memref<4x16x768xf32, #tpu.memory_space<vmem>>, vector<1x1x16xf32>,
        %parallel_loop3A_806 = vector.shape_cast %parallel_loop3A_805 : vector<1x1x16xf32> to vector<16xf32>
        %parallel_loop3A_807 = vector.shape_cast %parallel_loop3A_801 : vector<16xf32> to vector<1x1x16xf32>
        tpu.vector_store %arg8[%parallel_loop3A_802, %parallel_loop3A_803, %parallel_loop3A_804], %parallel_loop3A_807 {add = true, strides = array<i32>} : memref<4x16x768xf32, #tpu.memory_space<vmem>>, vector<1x1x16xf32>,
      } {sc.loop_unroll_factor = 1 : i64, sc.parallel_access}
      %div3A_254 = arith.constant 4 : i32
      %div3A_255 = arith.divsi %scan3A_224, %div3A_254 : i32
      %rem3A_256 = arith.constant 4 : i32
      %rem3A_257 = arith.remsi %scan3A_224, %rem3A_256 : i32
      %rem3A_258 = arith.constant 4 : i32
      %rem3A_259 = arith.remsi %scan3A_224, %rem3A_258 : i32
      %mul3A_260 = arith.constant 16 : i32
      %mul3A_261 = arith.muli %rem3A_257, %mul3A_260 : i32
      %add3A_262 = arith.addi %mul3A_2, %mul3A_261 : i32
      %dma_start3A_263 = arith.constant 0 : i32
      %dma_start3A_264 = arith.constant 0 : i32
      %dma_start3A_265 = tpu.memref_slice %arg8[%rem3A_259, %dma_start3A_263, %dma_start3A_264] : memref<4x16x768xf32, #tpu.memory_space<vmem>> -> memref<1x16x768xf32, #tpu.memory_space<vmem>>
      %dma_start3A_266 = tpu.memref_squeeze %dma_start3A_265 : memref<1x16x768xf32, #tpu.memory_space<vmem>> -> memref<16x768xf32, #tpu.memory_space<vmem>>
      %dma_start3A_267 = arith.constant 0 : i32
      %dma_start3A_268 = tpu.memref_slice %arg5[%div3A_255, %add3A_262, %dma_start3A_267] : memref<4x2048x768xf32, #tpu.memory_space<hbm>> -> memref<1x16x768xf32, #tpu.memory_space<hbm>>
      %dma_start3A_269 = tpu.memref_squeeze %dma_start3A_268 : memref<1x16x768xf32, #tpu.memory_space<hbm>> -> memref<16x768xf32, #tpu.memory_space<hbm>>
      %dma_start3A_270 = tpu.memref_slice %arg11[%rem3A_259] : memref<4x!tpu.dma_semaphore, #tpu.memory_space<semaphore_mem>> -> memref<1x!tpu.dma_semaphore, #tpu.memory_space<semaphore_mem>>
      %dma_start3A_271 = tpu.memref_squeeze %dma_start3A_270 : memref<1x!tpu.dma_semaphore, #tpu.memory_space<semaphore_mem>> -> memref<!tpu.dma_semaphore, #tpu.memory_space<semaphore_mem>>
      %dma_start3A_272 = arith.constant 0 : i32
      %dma_start3A_273 = tpu.memref_slice %arg5[%div3A_255, %add3A_262, %dma_start3A_272] : memref<4x2048x768xf32, #tpu.memory_space<hbm>> -> memref<1x16x768xf32, #tpu.memory_space<hbm>>
      %dma_start3A_274 = tpu.memref_squeeze %dma_start3A_273 : memref<1x16x768xf32, #tpu.memory_space<hbm>> -> memref<16x768xf32, #tpu.memory_space<hbm>>
      %dma_start3A_275 = arith.constant 0 : i32
      %dma_start3A_276 = arith.constant 0 : i32
      %dma_start3A_277 = tpu.memref_slice %arg8[%rem3A_259, %dma_start3A_275, %dma_start3A_276] : memref<4x16x768xf32, #tpu.memory_space<vmem>> -> memref<1x16x768xf32, #tpu.memory_space<vmem>>
      %dma_start3A_278 = tpu.memref_squeeze %dma_start3A_277 : memref<1x16x768xf32, #tpu.memory_space<vmem>> -> memref<16x768xf32, #tpu.memory_space<vmem>>
      tpu.enqueue_dma source(%dma_start3A_278 : memref<16x768xf32, #tpu.memory_space<vmem>>) target(%dma_start3A_274 : memref<16x768xf32, #tpu.memory_space<hbm>>) target_semaphore(%dma_start3A_271 : memref<!tpu.dma_semaphore, #tpu.memory_space<semaphore_mem>>)
    }
    %scan3A_139 = arith.constant 16 : i32
    %add3A_140 = arith.constant 0 : i32
    %add3A_141 = arith.addi %mul3A_2, %add3A_140 : i32
    %dma_wait3A_142 = arith.constant 0 : i32
    %dma_wait3A_143 = arith.constant 3 : i32
    %dma_wait3A_144 = arith.constant 0 : i32
    %dma_wait3A_145 = arith.constant 0 : i32
    %dma_wait3A_146 = arith.constant 0 : i32
    %dma_wait3A_147 = tpu.memref_slice %arg8[%dma_wait3A_142, %dma_wait3A_145, %dma_wait3A_146] : memref<4x16x768xf32, #tpu.memory_space<vmem>> -> memref<1x16x768xf32, #tpu.memory_space<vmem>>
    %dma_wait3A_148 = tpu.memref_squeeze %dma_wait3A_147 : memref<1x16x768xf32, #tpu.memory_space<vmem>> -> memref<16x768xf32, #tpu.memory_space<vmem>>
    %dma_wait3A_149 = arith.constant 0 : i32
    %dma_wait3A_150 = tpu.memref_slice %arg5[%dma_wait3A_143, %add3A_141, %dma_wait3A_149] : memref<4x2048x768xf32, #tpu.memory_space<hbm>> -> memref<1x16x768xf32, #tpu.memory_space<hbm>>
    %dma_wait3A_151 = tpu.memref_squeeze %dma_wait3A_150 : memref<1x16x768xf32, #tpu.memory_space<hbm>> -> memref<16x768xf32, #tpu.memory_space<hbm>>
    %dma_wait3A_152 = tpu.memref_slice %arg11[%dma_wait3A_144] : memref<4x!tpu.dma_semaphore, #tpu.memory_space<semaphore_mem>> -> memref<1x!tpu.dma_semaphore, #tpu.memory_space<semaphore_mem>>
    %dma_wait3A_153 = tpu.memref_squeeze %dma_wait3A_152 : memref<1x!tpu.dma_semaphore, #tpu.memory_space<semaphore_mem>> -> memref<!tpu.dma_semaphore, #tpu.memory_space<semaphore_mem>>
    %dma_wait3A_154 = arith.constant 0 : i32
    %dma_wait3A_155 = tpu.memref_slice %arg5[%dma_wait3A_143, %add3A_141, %dma_wait3A_154] : memref<4x2048x768xf32, #tpu.memory_space<hbm>> -> memref<1x16x768xf32, #tpu.memory_space<hbm>>
    %dma_wait3A_156 = tpu.memref_squeeze %dma_wait3A_155 : memref<1x16x768xf32, #tpu.memory_space<hbm>> -> memref<16x768xf32, #tpu.memory_space<hbm>>
    %dma_wait3A_157 = arith.constant 0 : i32
    %dma_wait3A_158 = arith.constant 0 : i32
    %dma_wait3A_159 = tpu.memref_slice %arg8[%dma_wait3A_142, %dma_wait3A_157, %dma_wait3A_158] : memref<4x16x768xf32, #tpu.memory_space<vmem>> -> memref<1x16x768xf32, #tpu.memory_space<vmem>>
    %dma_wait3A_160 = tpu.memref_squeeze %dma_wait3A_159 : memref<1x16x768xf32, #tpu.memory_space<vmem>> -> memref<16x768xf32, #tpu.memory_space<vmem>>
    tpu.wait_dma2 semaphore(%dma_wait3A_153 : memref<!tpu.dma_semaphore, #tpu.memory_space<semaphore_mem>>) src(%dma_wait3A_160 : memref<16x768xf32, #tpu.memory_space<vmem>>) dst(%dma_wait3A_156 : memref<16x768xf32, #tpu.memory_space<hbm>>)
    %add3A_161 = arith.constant 16 : i32
    %add3A_162 = arith.addi %mul3A_2, %add3A_161 : i32
    %dma_wait3A_163 = arith.constant 1 : i32
    %dma_wait3A_164 = arith.constant 3 : i32
    %dma_wait3A_165 = arith.constant 1 : i32
    %dma_wait3A_166 = arith.constant 0 : i32
    %dma_wait3A_167 = arith.constant 0 : i32
    %dma_wait3A_168 = tpu.memref_slice %arg8[%dma_wait3A_163, %dma_wait3A_166, %dma_wait3A_167] : memref<4x16x768xf32, #tpu.memory_space<vmem>> -> memref<1x16x768xf32, #tpu.memory_space<vmem>>
    %dma_wait3A_169 = tpu.memref_squeeze %dma_wait3A_168 : memref<1x16x768xf32, #tpu.memory_space<vmem>> -> memref<16x768xf32, #tpu.memory_space<vmem>>
    %dma_wait3A_170 = arith.constant 0 : i32
    %dma_wait3A_171 = tpu.memref_slice %arg5[%dma_wait3A_164, %add3A_162, %dma_wait3A_170] : memref<4x2048x768xf32, #tpu.memory_space<hbm>> -> memref<1x16x768xf32, #tpu.memory_space<hbm>>
    %dma_wait3A_172 = tpu.memref_squeeze %dma_wait3A_171 : memref<1x16x768xf32, #tpu.memory_space<hbm>> -> memref<16x768xf32, #tpu.memory_space<hbm>>
    %dma_wait3A_173 = tpu.memref_slice %arg11[%dma_wait3A_165] : memref<4x!tpu.dma_semaphore, #tpu.memory_space<semaphore_mem>> -> memref<1x!tpu.dma_semaphore, #tpu.memory_space<semaphore_mem>>
    %dma_wait3A_174 = tpu.memref_squeeze %dma_wait3A_173 : memref<1x!tpu.dma_semaphore, #tpu.memory_space<semaphore_mem>> -> memref<!tpu.dma_semaphore, #tpu.memory_space<semaphore_mem>>
    %dma_wait3A_175 = arith.constant 0 : i32
    %dma_wait3A_176 = tpu.memref_slice %arg5[%dma_wait3A_164, %add3A_162, %dma_wait3A_175] : memref<4x2048x768xf32, #tpu.memory_space<hbm>> -> memref<1x16x768xf32, #tpu.memory_space<hbm>>
    %dma_wait3A_177 = tpu.memref_squeeze %dma_wait3A_176 : memref<1x16x768xf32, #tpu.memory_space<hbm>> -> memref<16x768xf32, #tpu.memory_space<hbm>>
    %dma_wait3A_178 = arith.constant 0 : i32
    %dma_wait3A_179 = arith.constant 0 : i32
    %dma_wait3A_180 = tpu.memref_slice %arg8[%dma_wait3A_163, %dma_wait3A_178, %dma_wait3A_179] : memref<4x16x768xf32, #tpu.memory_space<vmem>> -> memref<1x16x768xf32, #tpu.memory_space<vmem>>
    %dma_wait3A_181 = tpu.memref_squeeze %dma_wait3A_180 : memref<1x16x768xf32, #tpu.memory_space<vmem>> -> memref<16x768xf32, #tpu.memory_space<vmem>>
    tpu.wait_dma2 semaphore(%dma_wait3A_174 : memref<!tpu.dma_semaphore, #tpu.memory_space<semaphore_mem>>) src(%dma_wait3A_181 : memref<16x768xf32, #tpu.memory_space<vmem>>) dst(%dma_wait3A_177 : memref<16x768xf32, #tpu.memory_space<hbm>>)
    %add3A_182 = arith.constant 32 : i32
    %add3A_183 = arith.addi %mul3A_2, %add3A_182 : i32
    %dma_wait3A_184 = arith.constant 2 : i32
    %dma_wait3A_185 = arith.constant 3 : i32
    %dma_wait3A_186 = arith.constant 2 : i32
    %dma_wait3A_187 = arith.constant 0 : i32
    %dma_wait3A_188 = arith.constant 0 : i32
    %dma_wait3A_189 = tpu.memref_slice %arg8[%dma_wait3A_184, %dma_wait3A_187, %dma_wait3A_188] : memref<4x16x768xf32, #tpu.memory_space<vmem>> -> memref<1x16x768xf32, #tpu.memory_space<vmem>>
    %dma_wait3A_190 = tpu.memref_squeeze %dma_wait3A_189 : memref<1x16x768xf32, #tpu.memory_space<vmem>> -> memref<16x768xf32, #tpu.memory_space<vmem>>
    %dma_wait3A_191 = arith.constant 0 : i32
    %dma_wait3A_192 = tpu.memref_slice %arg5[%dma_wait3A_185, %add3A_183, %dma_wait3A_191] : memref<4x2048x768xf32, #tpu.memory_space<hbm>> -> memref<1x16x768xf32, #tpu.memory_space<hbm>>
    %dma_wait3A_193 = tpu.memref_squeeze %dma_wait3A_192 : memref<1x16x768xf32, #tpu.memory_space<hbm>> -> memref<16x768xf32, #tpu.memory_space<hbm>>
    %dma_wait3A_194 = tpu.memref_slice %arg11[%dma_wait3A_186] : memref<4x!tpu.dma_semaphore, #tpu.memory_space<semaphore_mem>> -> memref<1x!tpu.dma_semaphore, #tpu.memory_space<semaphore_mem>>
    %dma_wait3A_195 = tpu.memref_squeeze %dma_wait3A_194 : memref<1x!tpu.dma_semaphore, #tpu.memory_space<semaphore_mem>> -> memref<!tpu.dma_semaphore, #tpu.memory_space<semaphore_mem>>
    %dma_wait3A_196 = arith.constant 0 : i32
    %dma_wait3A_197 = tpu.memref_slice %arg5[%dma_wait3A_185, %add3A_183, %dma_wait3A_196] : memref<4x2048x768xf32, #tpu.memory_space<hbm>> -> memref<1x16x768xf32, #tpu.memory_space<hbm>>
    %dma_wait3A_198 = tpu.memref_squeeze %dma_wait3A_197 : memref<1x16x768xf32, #tpu.memory_space<hbm>> -> memref<16x768xf32, #tpu.memory_space<hbm>>
    %dma_wait3A_199 = arith.constant 0 : i32
    %dma_wait3A_200 = arith.constant 0 : i32
    %dma_wait3A_201 = tpu.memref_slice %arg8[%dma_wait3A_184, %dma_wait3A_199, %dma_wait3A_200] : memref<4x16x768xf32, #tpu.memory_space<vmem>> -> memref<1x16x768xf32, #tpu.memory_space<vmem>>
    %dma_wait3A_202 = tpu.memref_squeeze %dma_wait3A_201 : memref<1x16x768xf32, #tpu.memory_space<vmem>> -> memref<16x768xf32, #tpu.memory_space<vmem>>
    tpu.wait_dma2 semaphore(%dma_wait3A_195 : memref<!tpu.dma_semaphore, #tpu.memory_space<semaphore_mem>>) src(%dma_wait3A_202 : memref<16x768xf32, #tpu.memory_space<vmem>>) dst(%dma_wait3A_198 : memref<16x768xf32, #tpu.memory_space<hbm>>)
    %add3A_203 = arith.constant 48 : i32
    %add3A_204 = arith.addi %mul3A_2, %add3A_203 : i32
    %dma_wait3A_205 = arith.constant 3 : i32
    %dma_wait3A_206 = arith.constant 3 : i32
    %dma_wait3A_207 = arith.constant 3 : i32
    %dma_wait3A_208 = arith.constant 0 : i32
    %dma_wait3A_209 = arith.constant 0 : i32
    %dma_wait3A_210 = tpu.memref_slice %arg8[%dma_wait3A_205, %dma_wait3A_208, %dma_wait3A_209] : memref<4x16x768xf32, #tpu.memory_space<vmem>> -> memref<1x16x768xf32, #tpu.memory_space<vmem>>
    %dma_wait3A_211 = tpu.memref_squeeze %dma_wait3A_210 : memref<1x16x768xf32, #tpu.memory_space<vmem>> -> memref<16x768xf32, #tpu.memory_space<vmem>>
    %dma_wait3A_212 = arith.constant 0 : i32
    %dma_wait3A_213 = tpu.memref_slice %arg5[%dma_wait3A_206, %add3A_204, %dma_wait3A_212] : memref<4x2048x768xf32, #tpu.memory_space<hbm>> -> memref<1x16x768xf32, #tpu.memory_space<hbm>>
    %dma_wait3A_214 = tpu.memref_squeeze %dma_wait3A_213 : memref<1x16x768xf32, #tpu.memory_space<hbm>> -> memref<16x768xf32, #tpu.memory_space<hbm>>
    %dma_wait3A_215 = tpu.memref_slice %arg11[%dma_wait3A_207] : memref<4x!tpu.dma_semaphore, #tpu.memory_space<semaphore_mem>> -> memref<1x!tpu.dma_semaphore, #tpu.memory_space<semaphore_mem>>
    %dma_wait3A_216 = tpu.memref_squeeze %dma_wait3A_215 : memref<1x!tpu.dma_semaphore, #tpu.memory_space<semaphore_mem>> -> memref<!tpu.dma_semaphore, #tpu.memory_space<semaphore_mem>>
    %dma_wait3A_217 = arith.constant 0 : i32
    %dma_wait3A_218 = tpu.memref_slice %arg5[%dma_wait3A_206, %add3A_204, %dma_wait3A_217] : memref<4x2048x768xf32, #tpu.memory_space<hbm>> -> memref<1x16x768xf32, #tpu.memory_space<hbm>>
    %dma_wait3A_219 = tpu.memref_squeeze %dma_wait3A_218 : memref<1x16x768xf32, #tpu.memory_space<hbm>> -> memref<16x768xf32, #tpu.memory_space<hbm>>
    %dma_wait3A_220 = arith.constant 0 : i32
    %dma_wait3A_221 = arith.constant 0 : i32
    %dma_wait3A_222 = tpu.memref_slice %arg8[%dma_wait3A_205, %dma_wait3A_220, %dma_wait3A_221] : memref<4x16x768xf32, #tpu.memory_space<vmem>> -> memref<1x16x768xf32, #tpu.memory_space<vmem>>
    %dma_wait3A_223 = tpu.memref_squeeze %dma_wait3A_222 : memref<1x16x768xf32, #tpu.memory_space<vmem>> -> memref<16x768xf32, #tpu.memory_space<vmem>>
    tpu.wait_dma2 semaphore(%dma_wait3A_216 : memref<!tpu.dma_semaphore, #tpu.memory_space<semaphore_mem>>) src(%dma_wait3A_223 : memref<16x768xf32, #tpu.memory_space<vmem>>) dst(%dma_wait3A_219 : memref<16x768xf32, #tpu.memory_space<hbm>>)
    return
  }
}

</mosaic_0001>

<sc_bundles>
// kernel: kernel.3.cloned.1.call-start
scs
__scs_entry_jumppad:
0x0: {  	(pc) =	sbr.rel $0x88, $3  }
0x1: {  	(tag) =	ssettag $0x0;
	lr =	simm.s32 $0x1  }
0x2: {  	[smem:$0x3F9E] =	sst lr;
	_ =	strace $0xD0000000  }
0x3: {  	_ = 	snop  }
0x4: {  	_ = 	snop  }
0x5: {  	_ = 	snop  }
0x6: {  	_ = 	snop  }
0x7: {  	_ = 	snop  }
__scs_overlays_trampoline_lowered:
0x8: {  	[smem:$0x3FAD] =	sst s0  }
0x9: {  	[smem:$0x3FAE] =	sst s1  }
0xa: {  	[smem:$0x3FAF] =	sst s2  }
0xb: {  	[smem:$0x3FB0] =	sst s3  }
0xc: {  	[smem:$0x3FB1] =	sst s4  }
0xd: {  	[smem:$0x3FB2] =	sst s5  }
0xe: {  	[smem:$0x3FB3] =	sst s6  }
0xf: {  	[smem:$0x3FB4] =	sst s7  }
0x10: {  	[smem:$0x3FB5] =	sst s8  }
0x11: {  	[smem:$0x3FB6] =	sst s9;
	s0 =	simm.s32 @!p0 $0x0  }
0x12: {  	s1 =	sld [smem:$0x3F9C];
	s0 =	simm.s32 @p0 $0x1  }
0x13: {  	[smem:$0x3FB7] =	sst s0;
	s0 =	simm.s32 @!p1 $0x0  }
0x14: {  	s2 =	sld [smem:$0x3F9B];
	s0 =	simm.s32 @p1 $0x1  }
0x15: {  	[smem:$0x3FB8] =	sst s0;
	s0 =	simm.s32 @!p2 $0x0  }
0x16: {  	s3 =	sld [smem:$0x3FDB];
	s0 =	simm.s32 @p2 $0x1  }
0x17: {  	s4 =	simm.s32 $0x1BF5;
	[smem:$0x3FBA] =	sst s0  }
0x18: {  	s0 =	sld [smem:$0x3F9D];
	_ =	swait.ge [sflag:s4], $0x0  }
0x19: {  	s7 =	sld [smem:$0x3F9E]  }
0x1a: {  	s8 =	sadd.s32 $0xFFFFE003, lr  }
0x1b: {  	s9 =	sadd.s32 $0xFFFFFEF7, lr;
	s5 =	simm.s32 $0xFFFFFFFF;
	p2 =	slt.u32 s8, $0xFFFFF086  }
0x1c: {  	p1 =	slt.u32 s9, $0xF7A;
	s5 =	simm.s32 @!p2 $0x0  }
0x1d: {  	s5 =	simm.s32 @p1 $0x1;
	p0 =	seq.s32 s7, s2  }
0x1e: {  	s7 =	smul.u32 @!p0 $0xF7A, s2;
	p2 =	seq.s32 @!p0 s5, $0x0  }
0x1f: {  	s9 =	smul.u32 $0xF7A, s1;
	s8 =	simm.s32 @!p0 $0x1BF5;
	p2 =	por !p2, p0  }
0x20: {  	[sflag:s8] =	ssyncset.s32 @!p0 $0xFFFFF086;
	s6 =	sadd.s32 @!p0 s3, s7;
	s7 =	simm.s32 @!p0 $0x108  }
0x21: {  	s3 =	sadd.s32 s3, s9;
	s6 =	sadd.s32 @!p0 $0x88, s6;
	s7 =	simm.s32 @p2 $0x1082  }
0x22: {  	[simem:s7], [sflag:s8] =	dma.local @!p0 [hbm:s6], $0xF7A  }
0x23: {  	s9 =	sor.u32 $0xD0000000, s2;
	s6 =	simm.s32 $0x108;
	_ =	swait.ge @!p0 [sflag:s8], $0x0  }
0x24: {  	s3 =	sadd.s32 $0x88, s3;
	s6 =	simm.s32 @!p1 $0x1082;
	[sflag:s4] =	ssyncset.s32 $0xFFFFF086  }
0x25: {  	[simem:s6], [sflag:s4] =	dma.local [hbm:s3], $0xF7A  }
0x26: {  	[smem:$0x3F9E] =	sst s1;
	(tag) =	ssettag s2;
	_ =	strace s9  }
0x27: {  	s1 =	sld [smem:$0x3FAE]  }
0x28: {  	s2 =	sld [smem:$0x3FAF]  }
0x29: {  	s4 =	sld [smem:$0x3FB1]  }
0x2a: {  	p0 =	seq.s32 s5, $0x0;
	s5 =	sld [smem:$0x3FB2]  }
0x2b: {  	s6 =	sld [smem:$0x3FB3]  }
0x2c: {  	s7 =	sld [smem:$0x3FB4]  }
0x2d: {  	s3 =	simm.s32 $0x108;
	s8 =	sld [smem:$0x3FB5]  }
0x2e: {  	s3 =	simm.s32 @!p0 $0x1082;
	s9 =	sld [smem:$0x3FB6]  }
0x2f: {  	lr =	sadd.s32 s0, s3;
	s0 =	sld [smem:$0x3FAD]  }
0x30: {  	s3 =	sld [smem:$0x3FB0]  }
0x31: {  	[smem:$0x3FB9] =	sst s10  }
0x32: {  	s10 =	sld [smem:$0x3FB7];
	_ =	sdelay $0x3  }
0x33: {  	p0 =	seq.s32 s10, $0x1;
	s10 =	sld [smem:$0x3FB9];
	_ =	sdelay $0x3  }
0x34: {  	[smem:$0x3FB9] =	sst s10  }
0x35: {  	s10 =	sld [smem:$0x3FB8];
	_ =	sdelay $0x3  }
0x36: {  	p1 =	seq.s32 s10, $0x1;
	s10 =	sld [smem:$0x3FB9];
	_ =	sdelay $0x3  }
0x37: {  	[smem:$0x3FB9] =	sst s10  }
0x38: {  	s10 =	sld [smem:$0x3FBA]  }
0x39: {  	_ = 	snop;
	(pc) =	sbr.ind lr, $3  }
0x3a: {  	_ = 	snop  }
0x3b: {  	_ = 	snop  }
0x3c: {  	p2 =	seq.s32 s10, $0x1;
	s10 =	sld [smem:$0x3FB9]  }
0x3d: {  	_ =	shalt  }
0x3e: {  	_ =	shalt  }
0x3f: {  	_ =	shalt  }
0x40: {  	_ =	shalt  }
0x41: {  	_ =	shalt  }
0x42: {  	_ =	shalt  }
0x43: {  	_ =	shalt  }
0x44: {  	_ =	shalt  }
0x45: {  	_ =	shalt  }
0x46: {  	_ =	shalt  }
0x47: {  	_ =	shalt  }
0x48: {  	_ =	shalt  }
0x49: {  	_ =	shalt  }
0x4a: {  	_ =	shalt  }
0x4b: {  	_ =	shalt  }
0x4c: {  	_ =	shalt  }
0x4d: {  	_ =	shalt  }
0x4e: {  	_ =	shalt  }
0x4f: {  	_ =	shalt  }
0x50: {  	_ =	shalt  }
0x51: {  	_ =	shalt  }
0x52: {  	_ =	shalt  }
0x53: {  	_ =	shalt  }
0x54: {  	_ =	shalt  }
0x55: {  	_ =	shalt  }
0x56: {  	_ =	shalt  }
0x57: {  	_ =	shalt  }
0x58: {  	_ =	shalt  }
0x59: {  	_ =	shalt  }
0x5a: {  	_ =	shalt  }
0x5b: {  	_ =	shalt  }
0x5c: {  	_ =	shalt  }
0x5d: {  	_ =	shalt  }
0x5e: {  	_ =	shalt  }
0x5f: {  	_ =	shalt  }
0x60: {  	_ =	shalt  }
0x61: {  	_ =	shalt  }
0x62: {  	_ =	shalt  }
0x63: {  	_ =	shalt  }
0x64: {  	_ =	shalt  }
0x65: {  	_ =	shalt  }
0x66: {  	_ =	shalt  }
0x67: {  	_ =	shalt  }
0x68: {  	_ =	shalt  }
0x69: {  	_ =	shalt  }
0x6a: {  	_ =	shalt  }
0x6b: {  	_ =	shalt  }
0x6c: {  	_ =	shalt  }
0x6d: {  	_ =	shalt  }
0x6e: {  	_ =	shalt  }
0x6f: {  	_ =	shalt  }
0x70: {  	_ =	shalt  }
0x71: {  	_ =	shalt  }
0x72: {  	_ =	shalt  }
0x73: {  	_ =	shalt  }
0x74: {  	_ =	shalt  }
0x75: {  	_ =	shalt  }
0x76: {  	_ =	shalt  }
0x77: {  	_ =	shalt  }
0x78: {  	_ =	shalt  }
0x79: {  	_ =	shalt  }
0x7a: {  	_ =	shalt  }
0x7b: {  	_ =	shalt  }
0x7c: {  	_ =	shalt  }
0x7d: {  	_ =	shalt  }
0x7e: {  	_ =	shalt  }
0x7f: {  	_ =	shalt  }
0x80: {  	_ =	shalt  }
0x81: {  	_ =	shalt  }
0x82: {  	_ =	shalt  }
0x83: {  	_ =	shalt  }
0x84: {  	_ =	shalt  }
0x85: {  	_ =	shalt  }
0x86: {  	_ =	shalt  }
0x87: {  	_ =	shalt  }
.Lfunc_end0:
.L_simem_size_0:
called_computation_lowered:
.L_overlay_start_0:
0x88: {  	s2 =	sld [smem:$0x3FD9]  }
0x89: {  	s3 =	sld [smem:$0x3FFE];
	_ =	sdelay $0x1  }
0x8a: {  	s1 =	srdreg.scid  }
0x8b: {  	s0 =	sand.u32 $0x1, s1  }
0x8c: {  	s18 =	sshll.u32 s0, $0xA;
	s2 =	sadd.s32 s3, s2  }
0x8d: {  	s2 =	sadd.s32 s2, s18  }
0x8e: {  	[smem:$0x3FC5] =	sst s2  }
0x8f: {  	_ = 	snop  }
0x90: {  	s2 =	sld [smem:$0x3FC9]  }
0x91: {  	s19 =	sld [smem:$0x3FC8]  }
0x92: {  	s4 =	sld [smem:$0x3FC7]  }
0x93: {  	s5 =	sld [smem:$0x3FD0];
	(tm) =	ssettm $0x1  }
0x94: {  	s6 =	sld [smem:$0x3FFB];
	_ =	sdelay $0x3  }
0x95: {  	_ =	strace s6  }
0x96: {  	s6 =	sld [smem:$0x3FFC];
	_ =	sdelay $0x3  }
0x97: {  	_ =	strace s6  }
0x98: {  	s6 =	sld [smem:$0x3FFD];
	_ =	sdelay $0x3  }
0x99: {  	_ =	strace s6  }
0x9a: {  	_ =	strace $0x8FFFFFFF  }
0x9b: {  	s20 =	sld [smem:$0x3FDB];
	_ =	sdelay $0x1  }
0x9c: {  	s7 =	simm.s32 $_scs_section_size  }
0x9d: {  	s8 =	simm.s32 $_size__tile_overlayer_lowered;
	s9 =	simm.s32 $_tile_overlayer_lowered  }
0x9e: {  	s23 =	simm.s32 $0x1BFF;
	s22 =	sshll.u32 s9, $0x1;
	s6 =	sadd.s32 s7, s20  }
0x9f: {  	s10 =	simm.s32 $0x0;
	s21 =	sshll.u32 s8, $0x1;
	s8 =	sadd.s32 s22, s6  }
0xa0: {  	[timem:s10], [sflag:s23] =	dma.local [hbm:s8], s21  }
0xa1: {  	_ =	swait.ge [sflag:s23], s21  }
0xa2: {  	s7 =	ssub.s32 $0x0, s21;
	[sflag:s23] =	ssyncset.done $0x0  }
0xa3: {  	[sflag:s23] =	ssyncadd.s32 s7;
	_ =	sdelay $0x1  }
0xa4: {  	s24 =	simm.s32 $0x1B8B  }
0xa5: {  	_ =	swait.ge [sflag:s24], $0x1  }
0xa6: {  	[sflag:s24] =	ssyncset.done $0x0  }
0xa7: {  	s25 =	simm.s32 $0x1B8E;
	[sflag:s24] =	ssyncadd.s32 $0xFFFFFFFF  }
0xa8: {  	s26 =	simm.s32 $execute0_lowered;
	[smem:$0x3FD2] =	sst s25  }
0xa9: {  	s7 =	sshll.u32 s26, $0x1;
	_ =	strace $0x80000046;
	[dreg:$0x1] =	wrdreg $0xFFFFFFFF  }
0xaa: {  	s28 =	simm.s32 $_size_execute0_lowered;
	s6 =	sadd.s32 s6, s7;
	[dreg:$0x0] =	wrdreg $0x0  }
0xab: {  	s7 =	sshll.u32 s28, $0x1;
	[dreg:$0x2] =	wrdreg s6  }
0xac: {  	[dreg:$0x3] =	wrdreg s7  }
0xad: {  	[dreg:$0x4] =	wrdreg $0xC0  }
0xae: {  	_ =	task [dreg:s10], $0x5FFFF  }
0xaf: {  	[dreg:$0x1] =	wrdreg $0xFFFFFFFF  }
0xb0: {  	[dreg:$0x0] =	wrdreg $0x60  }
0xb1: {  	[dreg:$0x2] =	wrdreg s2  }
0xb2: {  	[dreg:$0x3] =	wrdreg s19  }
0xb3: {  	[dreg:$0x4] =	wrdreg s4  }
0xb4: {  	[dreg:$0x5] =	wrdreg s5  }
0xb5: {  	[dreg:$0x6] =	wrdreg $0x9  }
0xb6: {  	_ =	task.clear_ibuf [dreg:s10], $0x7FFFF;
	_ =	strace $0x90000046  }
0xb7: {  	s29 =	simm.s32 $0x9;
	_ =	strace $0x80000048  }
0xb8: {  	_ =	swait.ge [sflag:s29], $0x1  }
0xb9: {  	[sflag:s29] =	ssyncadd.s32 $0xFFFFFFFF  }
0xba: {  	_ =	strace $0x90000048  }
0xbb: {  	_ =	sfence  }
0xbc: {  	s30 =	sld [smem:$0x0];
	_ =	sdelay $0x2  }
0xbd: {  	s31 =	sshll.u32 s1, $0xD;
	s1 =	sshrl.u32 s1, $0x2  }
0xbe: {  	s3 =	sand.u32 $0x4000, s31;
	s1 =	sadd.s32 s1, s30  }
0xbf: {  	s0 =	sor.u32 s3, s0;
	s1 =	sshll.u32 s1, $0x11  }
0xc0: {  	s0 =	sor.u32 s1, s0  }
0xc1: {  	s0 =	sadd.s32 $0x8F2B, s0  }
0xc2: {  	[sflag:s0] =	ssyncadd.remote.s32 $0x1  }
0xc3: {  	_ =	sfence.sel $0xFFFF  }
0xc4: {  	[dreg:$0x0] =	wrdreg $0xFFFFFFFF;
	(pc) =	sbr.abs _section_cstart, $3  }
0xc5: {  	[dreg:$0x1] =	wrdreg $0xFFFFFFFF  }
0xc6: {  	_ =	task.clear_ibuf [dreg:s10], $0x2FFFF;
	_ =	strace $0x9FFFFFFF  }
0xc7: {  	(tm) =	ssettm $0x7FFFFFFF  }
tec
execute0_lowered:
.L_overlay_start_1:
0x0: {  	(tag) =	ssettag $0x1  }
0x1: {  	s0 =	rddreg [dreg:$0x0]  }
0x2: {  	s1 =	rddreg [dreg:$0x1]  }
0x3: {  	s2 =	srdreg.scid;
	s7 =	rddreg [dreg:$0x2]  }
0x4: {  	s4 =	stileid.u32;
	s3 =	rddreg [dreg:$0x3]  }
0x5: {  	s18 =	simm.s32 $0x1;
	s14 =	simm.s32 $0x8;
	s15 =	simm.s32 $0x9  }
0x6: {  	s16 =	simm.s32 $0x0;
	s2 =	sand.u32 $0x1, s2;
	s5 =	sshll.u32 s4, $0x7  }
0x7: {  	s4 =	simm.s32 $0x0;
	s12 =	sadd.s32 $0x200, s1;
	s6 =	sshll.u32 s2, $0x6  }
0x8: {  	[smem:$0x7FF] =	sst s4;
	s2 =	ssub.s32 $0x2, s2;
	s5 =	sor.u32 s6, s5  }
0x9: {  	_ =	strace $0x80000047;
	s9 =	sshrl.u32 s2, $0x1;
	s8 =	sshll.u32 s5, $0x2  }
0xa: {  	s2 =	ssub.s32 s2, s9;
	s26 =	sshrl.u32 s5, $0x3;
	s10 =	sand.u32 $0x1E00, s8  }
0xb: {  	s31 =	smax.u32 s2, $0x1;
	s23 =	sor.u32 s6, s10;
	s10 =	smul.u32 $0x300, s26  }
0xc: {  	s6 =	sor.u32 s6, s8;
	[dreg:$0x9] =	wrdreg s31;
	s24 =	sshrl.u32 s23, $0x3  }
0xd: {  	s25 =	sshrl.u32 s6, $0x3;
	s6 =	sadd.s32 s0, s24;
	s30 =	sadd.s32 s7, s10  }
0xe: {  	s28 =	sor.u32 $0x20, s25;
	s11 =	sadd.s32 $0x10, s6;
	[dreg:$0x8] =	wrdreg s30  }
0xf: {  	v2 =	vlaneseq.u32;
	s29 =	sor.u32 $0x30, s25;
	s8 =	sadd.s32 s0, s28;
	[dreg:$0x5] =	wrdreg s11  }
0x10: {  	vm0 =	vmmov $0xffff;
	v1 =	vshrl.u32 v2, $0x3;
	s2 =	simm.s32 $0x6;
	s0 =	sadd.s32 s0, s29;
	[dreg:$0x6] =	wrdreg s8  }
0x11: {  	v0 =	vand.u32 $0x7, v2;
	v2 =	vor.u32 $0x8, v2;
	v1 =	vmul.u32 $0x8, v1;
	[dreg:$0x7] =	wrdreg s0;
	s11 =	sadd.s32 $0x100, s1;
	s0 =	simm.s32 $0x7  }
.LBB2_1:
0x12: {  	[tilespmem:s4], [sflag:$0x1] =	stream.linear.gather [hbm4b:s6+s4], $0x40, $0x38;
	[tilespmem:$0x18200] =	vst v63  }
0x13: {  	s7 =	rddreg [dreg:$0x5];
	s8 =	simm.s32 $0x80  }
0x14: {  	[tilespmem:s8], [sflag:$0x1] =	stream.linear.gather [hbm4b:s7+s4], $0x40, $0x38;
	[tilespmem:$0x18200] =	vst v63  }
0x15: {  	s30 =	rddreg [dreg:$0x6];
	s31 =	simm.s32 $0x100  }
0x16: {  	[tilespmem:s31], [sflag:$0x1] =	stream.linear.gather [hbm4b:s30+s4], $0x40, $0x38;
	[tilespmem:$0x18200] =	vst v63  }
0x17: {  	s9 =	rddreg [dreg:$0x7];
	s10 =	simm.s32 $0x180  }
0x18: {  	[tilespmem:s10], [sflag:$0x1] =	stream.linear.gather [hbm4b:s9+s4], $0x40, $0x38;
	[tilespmem:$0x18200] =	vst v63  }
0x19: {  	s13 =	rddreg [dreg:$0x8];
	s17 =	simm.s32 $0x200  }
0x1a: {  	[tilespmem:s17], [sflag:$0x1] =	stream.linear.gather [hbm4b:s13+s4], $0xC000, $0x38;
	[tilespmem:$0x18200] =	vst v63  }
0x1b: {  	_ =	swait.ge [sflag:s18], $0x40  }
0x1c: {  	[sflag:s18] =	ssyncset.done $0x0  }
0x1d: {  	[sflag:s18] =	ssyncadd.s32 $0xFFFFFFC0  }
0x1e: {  	v3 =	vld [tilespmem:$0x0];
	_ =	sdelay $0x4  }
0x1f: {  	v4 =	vshrl.u32 v3, $0x3  }
0x20: {  	v4 =	vmul.u32 $0x30, v4  }
0x21: {  	v3 =	vand.u32 $0x7, v3  }
0x22: {  	v3 =	vor.u32 v3, v4  }
0x23: {  	v4 =	vperm.xlane v3, v0;
	_ =	sdelay $0x1  }
0x24: {  	v4 =	vadd.s32 v1, v4;
	_ =	sdelay $0x3  }
0x25: {  	s19 =	simm.s32 $0xC200;
	v3 =	vperm.xlane v3, v2  }
0x26: {  	[tilespmem:s19], [sflag:$0x2] =	stream.indirect_vreg.gather [hbm4b:s1+s4], $0x80, v4, vm0, $0xb8;
	[tilespmem:$0x18200] =	vst v63  }
0x27: {  	s20 =	simm.s32 $0xCA00;
	v3 =	vadd.s32 v1, v3  }
0x28: {  	[tilespmem:s20], [sflag:$0x2] =	stream.indirect_vreg.gather [hbm4b:s11+s4], $0x80, v4, vm0, $0xb8;
	[tilespmem:$0x18200] =	vst v63  }
0x29: {  	s21 =	simm.s32 $0xD200  }
0x2a: {  	[tilespmem:s21], [sflag:$0x2] =	stream.indirect_vreg.gather [hbm4b:s12+s4], $0x80, v4, vm0, $0xb8;
	[tilespmem:$0x18200] =	vst v63  }
0x2b: {  	s22 =	simm.s32 $0xDA00  }
0x2c: {  	[tilespmem:s22], [sflag:$0x2] =	stream.indirect_vreg.gather [hbm4b:s1+s4], $0x80, v3, vm0, $0xb8;
	[tilespmem:$0x18200] =	vst v63  }
0x2d: {  	s23 =	simm.s32 $0xE200  }
0x2e: {  	[tilespmem:s23], [sflag:$0x2] =	stream.indirect_vreg.gather [hbm4b:s11+s4], $0x80, v3, vm0, $0xb8;
	[tilespmem:$0x18200] =	vst v63  }
0x2f: {  	s24 =	simm.s32 $0xEA00  }
0x30: {  	[tilespmem:s24], [sflag:$0x2] =	stream.indirect_vreg.gather [hbm4b:s12+s4], $0x80, v3, vm0, $0xb8;
	[tilespmem:$0x18200] =	vst v63  }
0x31: {  	v3 =	vld [tilespmem:$0x10];
	_ =	sdelay $0x4  }
0x32: {  	v63 =	vshrl.u32 v3, $0x3  }
0x33: {  	v4 =	vmul.u32 $0x30, v63  }
0x34: {  	v3 =	vand.u32 $0x7, v3  }
0x35: {  	v3 =	vor.u32 v3, v4  }
0x36: {  	v4 =	vperm.xlane v3, v0;
	_ =	sdelay $0x1  }
0x37: {  	v4 =	vadd.s32 v1, v4;
	_ =	sdelay $0x3  }
0x38: {  	s25 =	simm.s32 $0xF200;
	v3 =	vperm.xlane v3, v2  }
0x39: {  	[tilespmem:s25], [sflag:$0x3] =	stream.indirect_vreg.gather [hbm4b:s1+s4], $0x80, v4, vm0, $0xb8;
	[tilespmem:$0x18200] =	vst v63  }
0x3a: {  	s26 =	simm.s32 $0xFA00;
	v3 =	vadd.s32 v1, v3  }
0x3b: {  	[tilespmem:s26], [sflag:$0x3] =	stream.indirect_vreg.gather [hbm4b:s11+s4], $0x80, v4, vm0, $0xb8;
	[tilespmem:$0x18200] =	vst v63  }
0x3c: {  	s28 =	simm.s32 $0x10200  }
0x3d: {  	[tilespmem:s28], [sflag:$0x3] =	stream.indirect_vreg.gather [hbm4b:s12+s4], $0x80, v4, vm0, $0xb8;
	[tilespmem:$0x18200] =	vst v63  }
0x3e: {  	s29 =	simm.s32 $0x10A00  }
0x3f: {  	[tilespmem:s29], [sflag:$0x3] =	stream.indirect_vreg.gather [hbm4b:s1+s4], $0x80, v3, vm0, $0xb8;
	[tilespmem:$0x18200] =	vst v63  }
0x40: {  	s30 =	simm.s32 $0x11200  }
0x41: {  	[tilespmem:s30], [sflag:$0x3] =	stream.indirect_vreg.gather [hbm4b:s11+s4], $0x80, v3, vm0, $0xb8;
	[tilespmem:$0x18200] =	vst v63  }
0x42: {  	s31 =	simm.s32 $0x11A00  }
0x43: {  	[tilespmem:s31], [sflag:$0x3] =	stream.indirect_vreg.gather [hbm4b:s12+s4], $0x80, v3, vm0, $0xb8;
	[tilespmem:$0x18200] =	vst v63  }
0x44: {  	_ =	swait.ge [sflag:s18], $0x40  }
0x45: {  	[sflag:s18] =	ssyncset.done $0x0  }
0x46: {  	[sflag:s18] =	ssyncadd.s32 $0xFFFFFFC0  }
0x47: {  	_ =	swait.ge [sflag:s18], $0x40  }
0x48: {  	[sflag:s18] =	ssyncset.done $0x0  }
0x49: {  	[sflag:s18] =	ssyncadd.s32 $0xFFFFFFC0  }
0x4a: {  	_ =	swait.ge [sflag:s18], $0x40  }
0x4b: {  	[sflag:s18] =	ssyncset.done $0x0  }
0x4c: {  	[sflag:s18] =	ssyncadd.s32 $0xFFFFFFC0  }
0x4d: {  	_ =	swait.ge [sflag:s18], $0xC000  }
0x4e: {  	[sflag:s18] =	ssyncset.done $0x0  }
0x4f: {  	s17 =	simm.s32 $0x0;
	s19 =	simm.s32 $0x0;
	[sflag:s18] =	ssyncadd.s32 $0xFFFF4000  }
.LBB2_2:
0x50: {  	p0 =	sgt.u32 s19, $0xD  }
0x51: {  	p1 =	slt.u32 @!p0 s19, $0x2  }
0x52: {  	p1 =	por p1, p0  }
0x53: {  	s7 =	sand.u32 @!p1 $0x3, s19  }
0x54: {  	s7 =	sxor.u32 @!p1 $0x2, s7  }
0x55: {  	s8 =	sadd.s32 $0x2, s19;
	s7 =	sadd.s32 @!p1 $0x6, s7  }
0x56: {  	s9 =	sand.u32 @!p0 $0x3, s8;
	s8 =	sshll.u32 @!p0 s8, $0x5;
	_ =	swait.ge @!p1 [sflag:s7], $0x3000  }
0x57: {  	s8 =	sand.u32 @!p0 $0x380, s8;
	s10 =	sshll.u32 @!p0 s9, $0x4;
	[sflag:s7] =	ssyncset.done @!p1 $0x0  }
0x58: {  	[sflag:s7] =	ssyncadd.s32 @!p1 $0xFFFFD000;
	s7 =	sor.u32 @!p0 s10, s8  }
0x59: {  	v3 =	vld @!p0 [tilespmem:s7+$0x0];
	_ =	sdelay $0x4  }
0x5a: {  	v4 =	vshrl.u32 @!p0 v3, $0x3  }
0x5b: {  	v4 =	vmul.u32 @!p0 $0x30, v4  }
0x5c: {  	v5 =	vlaneseq.u32 @!p0;
	v3 =	vand.u32 @!p0 $0x7, v3  }
0x5d: {  	v6 =	vshrl.u32 @!p0 v5, $0x3;
	v3 =	vor.u32 @!p0 v3, v4;
	v4 =	vand.u32 @!p0 $0x7, v5  }
0x5e: {  	v6 =	vmul.u32 @!p0 $0x8, v6;
	v4 =	vperm.xlane @!p0 v3, v4;
	_ =	sdelay $0x1  }
0x5f: {  	v4 =	vadd.s32 @!p0 v6, v4  }
0x60: {  	s7 =	smul.u32 @!p0 $0xC000, s9;
	_ =	sdelay $0x1  }
0x61: {  	s7 =	sshrl.u32 @!p0 s7, $0x2;
	v5 =	vor.u32 @!p0 $0x8, v5  }
0x62: {  	vm1 =	vmmov @!p0 $0xffff;
	s10 =	simm.s32 @!p0 $0x0;
	s9 =	sadd.s32 @!p0 $0x2, s9;
	s8 =	sadd.s32 @!p0 $0xC200, s7;
	v3 =	vperm.xlane @!p0 v3, v5  }
0x63: {  	[tilespmem:s8], [sflag:s9] =	stream.indirect_vreg.gather @!p0 [hbm4b:s1+s10], $0x80, v4, vm1, $0xb8;
	[tilespmem:$0x18200] =	vst v63  }
0x64: {  	v3 =	vadd.s32 @!p0 v6, v3;
	s8 =	sadd.s32 @!p0 $0xCA00, s7  }
0x65: {  	[tilespmem:s8], [sflag:s9] =	stream.indirect_vreg.gather @!p0 [hbm4b:s11+s10], $0x80, v4, vm1, $0xb8;
	[tilespmem:$0x18200] =	vst v63  }
0x66: {  	s8 =	sadd.s32 @!p0 $0xD200, s7  }
0x67: {  	[tilespmem:s8], [sflag:s9] =	stream.indirect_vreg.gather @!p0 [hbm4b:s12+s10], $0x80, v4, vm1, $0xb8;
	[tilespmem:$0x18200] =	vst v63  }
0x68: {  	s30 =	sand.u32 $0x3, s17;
	s8 =	sadd.s32 @!p0 $0xDA00, s7  }
0x69: {  	[tilespmem:s8], [sflag:s9] =	stream.indirect_vreg.gather @!p0 [hbm4b:s1+s10], $0x80, v3, vm1, $0xb8;
	[tilespmem:$0x18200] =	vst v63  }
0x6a: {  	s28 =	sshll.u32 s30, $0x4;
	s20 =	sadd.s32 @!p0 $0xE200, s7  }
0x6b: {  	[tilespmem:s20], [sflag:s9] =	stream.indirect_vreg.gather @!p0 [hbm4b:s11+s10], $0x80, v3, vm1, $0xb8;
	[tilespmem:$0x18200] =	vst v63  }
0x6c: {  	s7 =	sadd.s32 @!p0 $0xEA00, s7;
	s8 =	sadd.s32 $0x0, s28  }
0x6d: {  	[tilespmem:s7], [sflag:s9] =	stream.indirect_vreg.gather @!p0 [hbm4b:s12+s10], $0x80, v3, vm1, $0xb8;
	[tilespmem:$0x18200] =	vst v63  }
0x6e: {  	s20 =	sand.u32 $0x3, s19;
	s7 =	sshrl.u32 s8, $0x3  }
0x6f: {  	s9 =	sadd.s32 $0x2, s20;
	s7 =	smul.u32 $0x6000, s7  }
0x70: {  	s23 =	simm.s32 $0x0;
	s10 =	simm.s32 $0x0;
	_ =	swait.ge [sflag:s9], $0x3000  }
0x71: {  	s13 =	sand.u32 $0x380, s10;
	[sflag:s9] =	ssyncset.done $0x0;
	s7 =	sshra.s32 s7, $0x2  }
0x72: {  	s22 =	smul.u32 $0xC000, s20;
	[sflag:s9] =	ssyncadd.s32 $0xFFFFD000;
	s30 =	sor.u32 s13, s7  }
0x73: {  	s7 =	smul.u32 $0x6000, s23;
	v3 =	vld [tilespmem:s30+$0x200]  }
0x74: {  	s9 =	sshrl.u32 s22, $0x2  }
0x75: {  	s21 =	sadd.s32 $0xC200, s9;
	s7 =	sshra.s32 s7, $0x2  }
0x76: {  	s7 =	sadd.s32 s7, s21  }
0x77: {  	s22 =	sadd.s32 s13, s7  }
0x78: {  	[tilespmem:s22+$0x0] =	vst.add.f32.msk $0xffff, v3  }
0x79: {  	v3 =	vld [tilespmem:s30+$0x210];
	_ =	sdelay $0x4  }
0x7a: {  	[tilespmem:s22+$0x10] =	vst.add.f32.msk $0xffff, v3  }
0x7b: {  	v3 =	vld [tilespmem:s30+$0x220];
	_ =	sdelay $0x4  }
0x7c: {  	[tilespmem:s22+$0x20] =	vst.add.f32.msk $0xffff, v3  }
0x7d: {  	v3 =	vld [tilespmem:s30+$0x230];
	_ =	sdelay $0x4  }
0x7e: {  	[tilespmem:s22+$0x30] =	vst.add.f32.msk $0xffff, v3  }
0x7f: {  	v3 =	vld [tilespmem:s30+$0x240];
	_ =	sdelay $0x4  }
0x80: {  	[tilespmem:s22+$0x40] =	vst.add.f32.msk $0xffff, v3  }
0x81: {  	v3 =	vld [tilespmem:s30+$0x250];
	_ =	sdelay $0x4  }
0x82: {  	[tilespmem:s22+$0x50] =	vst.add.f32.msk $0xffff, v3  }
0x83: {  	v3 =	vld [tilespmem:s30+$0x260];
	_ =	sdelay $0x4  }
0x84: {  	[tilespmem:s22+$0x60] =	vst.add.f32.msk $0xffff, v3  }
0x85: {  	v3 =	vld [tilespmem:s30+$0x270];
	_ =	sdelay $0x4  }
0x86: {  	[tilespmem:s22+$0x70] =	vst.add.f32.msk $0xffff, v3  }
0x87: {  	v3 =	vld [tilespmem:s30+$0x600];
	_ =	sdelay $0x4  }
0x88: {  	[tilespmem:s22+$0x400] =	vst.add.f32.msk $0xffff, v3  }
0x89: {  	v3 =	vld [tilespmem:s30+$0x610];
	_ =	sdelay $0x4  }
0x8a: {  	[tilespmem:s22+$0x410] =	vst.add.f32.msk $0xffff, v3  }
0x8b: {  	v3 =	vld [tilespmem:s30+$0x620];
	_ =	sdelay $0x4  }
0x8c: {  	[tilespmem:s22+$0x420] =	vst.add.f32.msk $0xffff, v3  }
0x8d: {  	v3 =	vld [tilespmem:s30+$0x630];
	_ =	sdelay $0x4  }
0x8e: {  	[tilespmem:s22+$0x430] =	vst.add.f32.msk $0xffff, v3  }
0x8f: {  	v3 =	vld [tilespmem:s30+$0x640];
	_ =	sdelay $0x4  }
0x90: {  	[tilespmem:s22+$0x440] =	vst.add.f32.msk $0xffff, v3  }
0x91: {  	v3 =	vld [tilespmem:s30+$0x650];
	_ =	sdelay $0x4  }
0x92: {  	[tilespmem:s22+$0x450] =	vst.add.f32.msk $0xffff, v3  }
0x93: {  	v3 =	vld [tilespmem:s30+$0x660];
	_ =	sdelay $0x3  }
0x94: {  	s24 =	sadd.s32 $0x1, s28  }
0x95: {  	s7 =	sshrl.u32 s24, $0x3;
	[tilespmem:s22+$0x460] =	vst.add.f32.msk $0xffff, v3  }
0x96: {  	s7 =	smul.u32 $0x6000, s7;
	v3 =	vld [tilespmem:s30+$0x670]  }
0x97: {  	s25 =	simm.s32 $0x80  }
0x98: {  	s8 =	sand.u32 $0x380, s25;
	s7 =	sshra.s32 s7, $0x2  }
0x99: {  	s26 =	simm.s32 $0x0;
	s24 =	sor.u32 s8, s7  }
0x9a: {  	s7 =	smul.u32 $0x6000, s26;
	v4 =	vld [tilespmem:s24+$0x200]  }
0x9b: {  	[tilespmem:s22+$0x470] =	vst.add.f32.msk $0xffff, v3  }
0x9c: {  	s7 =	sshra.s32 s7, $0x2;
	v3 =	vld [tilespmem:s30+$0xA00]  }
0x9d: {  	s7 =	sadd.s32 s7, s21  }
0x9e: {  	s23 =	sadd.s32 s8, s7  }
0x9f: {  	[tilespmem:s23+$0x0] =	vst.add.f32.msk $0xffff, v4  }
0xa0: {  	v4 =	vld [tilespmem:s24+$0x210]  }
0xa1: {  	[tilespmem:s22+$0x800] =	vst.add.f32.msk $0xffff, v3  }
0xa2: {  	v3 =	vld [tilespmem:s30+$0xA10];
	_ =	sdelay $0x2  }
0xa3: {  	[tilespmem:s23+$0x10] =	vst.add.f32.msk $0xffff, v4  }
0xa4: {  	v4 =	vld [tilespmem:s24+$0x220]  }
0xa5: {  	[tilespmem:s22+$0x810] =	vst.add.f32.msk $0xffff, v3  }
0xa6: {  	v3 =	vld [tilespmem:s30+$0xA20];
	_ =	sdelay $0x2  }
0xa7: {  	[tilespmem:s23+$0x20] =	vst.add.f32.msk $0xffff, v4  }
0xa8: {  	v4 =	vld [tilespmem:s24+$0x230]  }
0xa9: {  	[tilespmem:s22+$0x820] =	vst.add.f32.msk $0xffff, v3  }
0xaa: {  	v3 =	vld [tilespmem:s30+$0xA30];
	_ =	sdelay $0x2  }
0xab: {  	[tilespmem:s23+$0x30] =	vst.add.f32.msk $0xffff, v4  }
0xac: {  	v4 =	vld [tilespmem:s24+$0x240]  }
0xad: {  	[tilespmem:s22+$0x830] =	vst.add.f32.msk $0xffff, v3  }
0xae: {  	v3 =	vld [tilespmem:s30+$0xA40];
	_ =	sdelay $0x2  }
0xaf: {  	[tilespmem:s23+$0x40] =	vst.add.f32.msk $0xffff, v4  }
0xb0: {  	v4 =	vld [tilespmem:s24+$0x250]  }
0xb1: {  	[tilespmem:s22+$0x840] =	vst.add.f32.msk $0xffff, v3  }
0xb2: {  	v3 =	vld [tilespmem:s30+$0xA50];
	_ =	sdelay $0x2  }
0xb3: {  	[tilespmem:s23+$0x50] =	vst.add.f32.msk $0xffff, v4  }
0xb4: {  	v4 =	vld [tilespmem:s24+$0x260]  }
0xb5: {  	[tilespmem:s22+$0x850] =	vst.add.f32.msk $0xffff, v3  }
0xb6: {  	v3 =	vld [tilespmem:s30+$0xA60];
	_ =	sdelay $0x2  }
0xb7: {  	[tilespmem:s23+$0x60] =	vst.add.f32.msk $0xffff, v4  }
0xb8: {  	v4 =	vld [tilespmem:s24+$0x270]  }
0xb9: {  	[tilespmem:s22+$0x860] =	vst.add.f32.msk $0xffff, v3  }
0xba: {  	v3 =	vld [tilespmem:s30+$0xA70];
	_ =	sdelay $0x2  }
0xbb: {  	[tilespmem:s23+$0x70] =	vst.add.f32.msk $0xffff, v4  }
0xbc: {  	v4 =	vld [tilespmem:s24+$0x600]  }
0xbd: {  	[tilespmem:s22+$0x870] =	vst.add.f32.msk $0xffff, v3  }
0xbe: {  	v3 =	vld [tilespmem:s30+$0xE00];
	_ =	sdelay $0x2  }
0xbf: {  	[tilespmem:s23+$0x400] =	vst.add.f32.msk $0xffff, v4  }
0xc0: {  	v4 =	vld [tilespmem:s24+$0x610]  }
0xc1: {  	[tilespmem:s22+$0xC00] =	vst.add.f32.msk $0xffff, v3  }
0xc2: {  	v3 =	vld [tilespmem:s30+$0xE10];
	_ =	sdelay $0x2  }
0xc3: {  	[tilespmem:s23+$0x410] =	vst.add.f32.msk $0xffff, v4  }
0xc4: {  	v4 =	vld [tilespmem:s24+$0x620]  }
0xc5: {  	[tilespmem:s22+$0xC10] =	vst.add.f32.msk $0xffff, v3  }
0xc6: {  	v3 =	vld [tilespmem:s30+$0xE20];
	_ =	sdelay $0x2  }
0xc7: {  	[tilespmem:s23+$0x420] =	vst.add.f32.msk $0xffff, v4  }
0xc8: {  	v4 =	vld [tilespmem:s24+$0x630]  }
0xc9: {  	[tilespmem:s22+$0xC20] =	vst.add.f32.msk $0xffff, v3  }
0xca: {  	v3 =	vld [tilespmem:s30+$0xE30];
	_ =	sdelay $0x2  }
0xcb: {  	[tilespmem:s23+$0x430] =	vst.add.f32.msk $0xffff, v4  }
0xcc: {  	v4 =	vld [tilespmem:s24+$0x640]  }
0xcd: {  	[tilespmem:s22+$0xC30] =	vst.add.f32.msk $0xffff, v3  }
0xce: {  	v3 =	vld [tilespmem:s30+$0xE40];
	_ =	sdelay $0x2  }
0xcf: {  	[tilespmem:s23+$0x440] =	vst.add.f32.msk $0xffff, v4  }
0xd0: {  	v4 =	vld [tilespmem:s24+$0x650]  }
0xd1: {  	[tilespmem:s22+$0xC40] =	vst.add.f32.msk $0xffff, v3  }
0xd2: {  	v3 =	vld [tilespmem:s30+$0xE50];
	_ =	sdelay $0x2  }
0xd3: {  	[tilespmem:s23+$0x450] =	vst.add.f32.msk $0xffff, v4  }
0xd4: {  	v4 =	vld [tilespmem:s24+$0x660]  }
0xd5: {  	[tilespmem:s22+$0xC50] =	vst.add.f32.msk $0xffff, v3  }
0xd6: {  	v3 =	vld [tilespmem:s30+$0xE60];
	_ =	sdelay $0x1  }
0xd7: {  	s8 =	sadd.s32 $0x2, s28  }
0xd8: {  	s7 =	sshrl.u32 s8, $0x3;
	[tilespmem:s23+$0x460] =	vst.add.f32.msk $0xffff, v4  }
0xd9: {  	s7 =	smul.u32 $0x6000, s7;
	v4 =	vld [tilespmem:s24+$0x670]  }
0xda: {  	s9 =	simm.s32 $0x100;
	[tilespmem:s22+$0xC60] =	vst.add.f32.msk $0xffff, v3  }
0xdb: {  	s8 =	sand.u32 $0x380, s9;
	s7 =	sshra.s32 s7, $0x2;
	v3 =	vld [tilespmem:s30+$0xE70]  }
0xdc: {  	s10 =	simm.s32 $0x0;
	s26 =	sor.u32 s8, s7  }
0xdd: {  	s7 =	smul.u32 $0x6000, s10;
	v5 =	vld [tilespmem:s26+$0x200]  }
0xde: {  	[tilespmem:s23+$0x470] =	vst.add.f32.msk $0xffff, v4  }
0xdf: {  	s7 =	sshra.s32 s7, $0x2;
	v4 =	vld [tilespmem:s24+$0xA00]  }
0xe0: {  	s7 =	sadd.s32 s7, s21;
	[tilespmem:s22+$0xC70] =	vst.add.f32.msk $0xffff, v3  }
0xe1: {  	s25 =	sadd.s32 s8, s7;
	v3 =	vld [tilespmem:s30+$0x1200]  }
0xe2: {  	[tilespmem:s25+$0x0] =	vst.add.f32.msk $0xffff, v5  }
0xe3: {  	v5 =	vld [tilespmem:s26+$0x210]  }
0xe4: {  	[tilespmem:s23+$0x800] =	vst.add.f32.msk $0xffff, v4  }
0xe5: {  	v4 =	vld [tilespmem:s24+$0xA10]  }
0xe6: {  	[tilespmem:s22+$0x1000] =	vst.add.f32.msk $0xffff, v3  }
0xe7: {  	v3 =	vld [tilespmem:s30+$0x1210]  }
0xe8: {  	[tilespmem:s25+$0x10] =	vst.add.f32.msk $0xffff, v5  }
0xe9: {  	v5 =	vld [tilespmem:s26+$0x220]  }
0xea: {  	[tilespmem:s23+$0x810] =	vst.add.f32.msk $0xffff, v4  }
0xeb: {  	v4 =	vld [tilespmem:s24+$0xA20]  }
0xec: {  	[tilespmem:s22+$0x1010] =	vst.add.f32.msk $0xffff, v3  }
0xed: {  	v3 =	vld [tilespmem:s30+$0x1220]  }
0xee: {  	[tilespmem:s25+$0x20] =	vst.add.f32.msk $0xffff, v5  }
0xef: {  	v5 =	vld [tilespmem:s26+$0x230]  }
0xf0: {  	[tilespmem:s23+$0x820] =	vst.add.f32.msk $0xffff, v4  }
0xf1: {  	v4 =	vld [tilespmem:s24+$0xA30]  }
0xf2: {  	[tilespmem:s22+$0x1020] =	vst.add.f32.msk $0xffff, v3  }
0xf3: {  	v3 =	vld [tilespmem:s30+$0x1230]  }
0xf4: {  	[tilespmem:s25+$0x30] =	vst.add.f32.msk $0xffff, v5  }
0xf5: {  	v5 =	vld [tilespmem:s26+$0x240]  }
0xf6: {  	[tilespmem:s23+$0x830] =	vst.add.f32.msk $0xffff, v4  }
0xf7: {  	v4 =	vld [tilespmem:s24+$0xA40]  }
0xf8: {  	[tilespmem:s22+$0x1030] =	vst.add.f32.msk $0xffff, v3  }
0xf9: {  	v3 =	vld [tilespmem:s30+$0x1240]  }
0xfa: {  	[tilespmem:s25+$0x40] =	vst.add.f32.msk $0xffff, v5  }
0xfb: {  	v5 =	vld [tilespmem:s26+$0x250]  }
0xfc: {  	[tilespmem:s23+$0x840] =	vst.add.f32.msk $0xffff, v4  }
0xfd: {  	v4 =	vld [tilespmem:s24+$0xA50]  }
0xfe: {  	[tilespmem:s22+$0x1040] =	vst.add.f32.msk $0xffff, v3  }
0xff: {  	v3 =	vld [tilespmem:s30+$0x1250]  }
0x100: {  	[tilespmem:s25+$0x50] =	vst.add.f32.msk $0xffff, v5  }
0x101: {  	v5 =	vld [tilespmem:s26+$0x260]  }
0x102: {  	[tilespmem:s23+$0x850] =	vst.add.f32.msk $0xffff, v4  }
0x103: {  	v4 =	vld [tilespmem:s24+$0xA60]  }
0x104: {  	[tilespmem:s22+$0x1050] =	vst.add.f32.msk $0xffff, v3  }
0x105: {  	v3 =	vld [tilespmem:s30+$0x1260]  }
0x106: {  	[tilespmem:s25+$0x60] =	vst.add.f32.msk $0xffff, v5  }
0x107: {  	v5 =	vld [tilespmem:s26+$0x270]  }
0x108: {  	[tilespmem:s23+$0x860] =	vst.add.f32.msk $0xffff, v4  }
0x109: {  	v4 =	vld [tilespmem:s24+$0xA70]  }
0x10a: {  	[tilespmem:s22+$0x1060] =	vst.add.f32.msk $0xffff, v3  }
0x10b: {  	v3 =	vld [tilespmem:s30+$0x1270]  }
0x10c: {  	[tilespmem:s25+$0x70] =	vst.add.f32.msk $0xffff, v5  }
0x10d: {  	v5 =	vld [tilespmem:s26+$0x600]  }
0x10e: {  	[tilespmem:s23+$0x870] =	vst.add.f32.msk $0xffff, v4  }
0x10f: {  	v4 =	vld [tilespmem:s24+$0xE00]  }
0x110: {  	[tilespmem:s22+$0x1070] =	vst.add.f32.msk $0xffff, v3  }
0x111: {  	v3 =	vld [tilespmem:s30+$0x1600]  }
0x112: {  	[tilespmem:s25+$0x400] =	vst.add.f32.msk $0xffff, v5  }
0x113: {  	v5 =	vld [tilespmem:s26+$0x610]  }
0x114: {  	[tilespmem:s23+$0xC00] =	vst.add.f32.msk $0xffff, v4  }
0x115: {  	v4 =	vld [tilespmem:s24+$0xE10]  }
0x116: {  	[tilespmem:s22+$0x1400] =	vst.add.f32.msk $0xffff, v3  }
0x117: {  	v3 =	vld [tilespmem:s30+$0x1610]  }
0x118: {  	[tilespmem:s25+$0x410] =	vst.add.f32.msk $0xffff, v5  }
0x119: {  	v5 =	vld [tilespmem:s26+$0x620]  }
0x11a: {  	[tilespmem:s23+$0xC10] =	vst.add.f32.msk $0xffff, v4  }
0x11b: {  	v4 =	vld [tilespmem:s24+$0xE20]  }
0x11c: {  	[tilespmem:s22+$0x1410] =	vst.add.f32.msk $0xffff, v3  }
0x11d: {  	v3 =	vld [tilespmem:s30+$0x1620]  }
0x11e: {  	[tilespmem:s25+$0x420] =	vst.add.f32.msk $0xffff, v5  }
0x11f: {  	v5 =	vld [tilespmem:s26+$0x630]  }
0x120: {  	[tilespmem:s23+$0xC20] =	vst.add.f32.msk $0xffff, v4  }
0x121: {  	v4 =	vld [tilespmem:s24+$0xE30]  }
0x122: {  	[tilespmem:s22+$0x1420] =	vst.add.f32.msk $0xffff, v3  }
0x123: {  	v3 =	vld [tilespmem:s30+$0x1630]  }
0x124: {  	[tilespmem:s25+$0x430] =	vst.add.f32.msk $0xffff, v5  }
0x125: {  	v5 =	vld [tilespmem:s26+$0x640]  }
0x126: {  	[tilespmem:s23+$0xC30] =	vst.add.f32.msk $0xffff, v4  }
0x127: {  	v4 =	vld [tilespmem:s24+$0xE40]  }
0x128: {  	[tilespmem:s22+$0x1430] =	vst.add.f32.msk $0xffff, v3  }
0x129: {  	v3 =	vld [tilespmem:s30+$0x1640]  }
0x12a: {  	[tilespmem:s25+$0x440] =	vst.add.f32.msk $0xffff, v5  }
0x12b: {  	v5 =	vld [tilespmem:s26+$0x650]  }
0x12c: {  	[tilespmem:s23+$0xC40] =	vst.add.f32.msk $0xffff, v4  }
0x12d: {  	v4 =	vld [tilespmem:s24+$0xE50]  }
0x12e: {  	[tilespmem:s22+$0x1440] =	vst.add.f32.msk $0xffff, v3  }
0x12f: {  	v3 =	vld [tilespmem:s30+$0x1650]  }
0x130: {  	[tilespmem:s25+$0x450] =	vst.add.f32.msk $0xffff, v5  }
0x131: {  	v5 =	vld [tilespmem:s26+$0x660]  }
0x132: {  	[tilespmem:s23+$0xC50] =	vst.add.f32.msk $0xffff, v4  }
0x133: {  	v4 =	vld [tilespmem:s24+$0xE60]  }
0x134: {  	[tilespmem:s22+$0x1450] =	vst.add.f32.msk $0xffff, v3  }
0x135: {  	v3 =	vld [tilespmem:s30+$0x1660]  }
0x136: {  	s13 =	sadd.s32 $0x3, s28;
	[tilespmem:s25+$0x460] =	vst.add.f32.msk $0xffff, v5  }
0x137: {  	s7 =	sshrl.u32 s13, $0x3;
	v5 =	vld [tilespmem:s26+$0x670]  }
0x138: {  	s7 =	smul.u32 $0x6000, s7;
	[tilespmem:s23+$0xC60] =	vst.add.f32.msk $0xffff, v4  }
0x139: {  	s31 =	simm.s32 $0x180;
	v4 =	vld [tilespmem:s24+$0xE70]  }
0x13a: {  	s29 =	sshll.u32 s20, $0x4;
	s10 =	sand.u32 $0x380, s31;
	s7 =	sshra.s32 s7, $0x2;
	[tilespmem:s22+$0x1460] =	vst.add.f32.msk $0xffff, v3  }
0x13b: {  	s9 =	simm.s32 $0x3;
	s8 =	sor.u32 s10, s7;
	s7 =	simm.s32 $0x4;
	v3 =	vld [tilespmem:s30+$0x1670]  }
.LBB2_3:
0x13c: {  	p0 =	sne.s32 s7, $0xF;
	v6 =	vld [tilespmem:s8+$0x200];
	s9 =	sshrl.u32 s9, $0x3;
	s30 =	smov.u32 s26  }
0x13d: {  	s26 =	smov.u32 s8;
	s13 =	smul.u32 $0x6000, s9;
	[tilespmem:s25+$0x470] =	vst.add.f32.msk $0xffff, v5;
	s9 =	smov.u32 s7  }
0x13e: {  	v5 =	vld [tilespmem:s30+$0xA00]  }
0x13f: {  	s8 =	sshra.s32 s13, $0x2;
	[tilespmem:s23+$0xC70] =	vst.add.f32.msk $0xffff, v4  }
0x140: {  	s8 =	sadd.s32 s8, s21;
	[tilespmem:s22+$0x1470] =	vst.add.f32.msk $0xffff, v3;
	s22 =	smov.u32 s23;
	s23 =	smov.u32 s25  }
0x141: {  	s25 =	sadd.s32 s10, s8;
	v3 =	vld [tilespmem:s24+$0x1200]  }
0x142: {  	[tilespmem:s25+$0x0] =	vst.add.f32.msk $0xffff, v6  }
0x143: {  	v4 =	vld [tilespmem:s26+$0x210]  }
0x144: {  	[tilespmem:s23+$0x800] =	vst.add.f32.msk $0xffff, v5  }
0x145: {  	v5 =	vld [tilespmem:s30+$0xA10]  }
0x146: {  	[tilespmem:s22+$0x1000] =	vst.add.f32.msk $0xffff, v3  }
0x147: {  	v3 =	vld [tilespmem:s24+$0x1210]  }
0x148: {  	[tilespmem:s25+$0x10] =	vst.add.f32.msk $0xffff, v4  }
0x149: {  	v4 =	vld [tilespmem:s26+$0x220]  }
0x14a: {  	[tilespmem:s23+$0x810] =	vst.add.f32.msk $0xffff, v5  }
0x14b: {  	v5 =	vld [tilespmem:s30+$0xA20]  }
0x14c: {  	[tilespmem:s22+$0x1010] =	vst.add.f32.msk $0xffff, v3  }
0x14d: {  	v3 =	vld [tilespmem:s24+$0x1220]  }
0x14e: {  	[tilespmem:s25+$0x20] =	vst.add.f32.msk $0xffff, v4  }
0x14f: {  	v4 =	vld [tilespmem:s26+$0x230]  }
0x150: {  	[tilespmem:s23+$0x820] =	vst.add.f32.msk $0xffff, v5  }
0x151: {  	v5 =	vld [tilespmem:s30+$0xA30]  }
0x152: {  	[tilespmem:s22+$0x1020] =	vst.add.f32.msk $0xffff, v3  }
0x153: {  	v3 =	vld [tilespmem:s24+$0x1230]  }
0x154: {  	[tilespmem:s25+$0x30] =	vst.add.f32.msk $0xffff, v4  }
0x155: {  	v4 =	vld [tilespmem:s26+$0x240]  }
0x156: {  	[tilespmem:s23+$0x830] =	vst.add.f32.msk $0xffff, v5  }
0x157: {  	v5 =	vld [tilespmem:s30+$0xA40]  }
0x158: {  	[tilespmem:s22+$0x1030] =	vst.add.f32.msk $0xffff, v3  }
0x159: {  	v3 =	vld [tilespmem:s24+$0x1240]  }
0x15a: {  	[tilespmem:s25+$0x40] =	vst.add.f32.msk $0xffff, v4  }
0x15b: {  	v4 =	vld [tilespmem:s26+$0x250]  }
0x15c: {  	[tilespmem:s23+$0x840] =	vst.add.f32.msk $0xffff, v5  }
0x15d: {  	v5 =	vld [tilespmem:s30+$0xA50]  }
0x15e: {  	[tilespmem:s22+$0x1040] =	vst.add.f32.msk $0xffff, v3  }
0x15f: {  	v3 =	vld [tilespmem:s24+$0x1250]  }
0x160: {  	[tilespmem:s25+$0x50] =	vst.add.f32.msk $0xffff, v4  }
0x161: {  	v4 =	vld [tilespmem:s26+$0x260]  }
0x162: {  	[tilespmem:s23+$0x850] =	vst.add.f32.msk $0xffff, v5  }
0x163: {  	v5 =	vld [tilespmem:s30+$0xA60]  }
0x164: {  	[tilespmem:s22+$0x1050] =	vst.add.f32.msk $0xffff, v3  }
0x165: {  	v3 =	vld [tilespmem:s24+$0x1260]  }
0x166: {  	[tilespmem:s25+$0x60] =	vst.add.f32.msk $0xffff, v4  }
0x167: {  	v4 =	vld [tilespmem:s26+$0x270]  }
0x168: {  	[tilespmem:s23+$0x860] =	vst.add.f32.msk $0xffff, v5  }
0x169: {  	v5 =	vld [tilespmem:s30+$0xA70]  }
0x16a: {  	[tilespmem:s22+$0x1060] =	vst.add.f32.msk $0xffff, v3  }
0x16b: {  	v3 =	vld [tilespmem:s24+$0x1270]  }
0x16c: {  	[tilespmem:s25+$0x70] =	vst.add.f32.msk $0xffff, v4  }
0x16d: {  	v4 =	vld [tilespmem:s26+$0x600]  }
0x16e: {  	[tilespmem:s23+$0x870] =	vst.add.f32.msk $0xffff, v5  }
0x16f: {  	v5 =	vld [tilespmem:s30+$0xE00]  }
0x170: {  	[tilespmem:s22+$0x1070] =	vst.add.f32.msk $0xffff, v3  }
0x171: {  	v3 =	vld [tilespmem:s24+$0x1600]  }
0x172: {  	[tilespmem:s25+$0x400] =	vst.add.f32.msk $0xffff, v4  }
0x173: {  	v4 =	vld [tilespmem:s26+$0x610]  }
0x174: {  	[tilespmem:s23+$0xC00] =	vst.add.f32.msk $0xffff, v5  }
0x175: {  	v5 =	vld [tilespmem:s30+$0xE10]  }
0x176: {  	[tilespmem:s22+$0x1400] =	vst.add.f32.msk $0xffff, v3  }
0x177: {  	v3 =	vld [tilespmem:s24+$0x1610]  }
0x178: {  	[tilespmem:s25+$0x410] =	vst.add.f32.msk $0xffff, v4  }
0x179: {  	v4 =	vld [tilespmem:s26+$0x620]  }
0x17a: {  	[tilespmem:s23+$0xC10] =	vst.add.f32.msk $0xffff, v5  }
0x17b: {  	v5 =	vld [tilespmem:s30+$0xE20]  }
0x17c: {  	[tilespmem:s22+$0x1410] =	vst.add.f32.msk $0xffff, v3  }
0x17d: {  	v3 =	vld [tilespmem:s24+$0x1620]  }
0x17e: {  	[tilespmem:s25+$0x420] =	vst.add.f32.msk $0xffff, v4  }
0x17f: {  	v4 =	vld [tilespmem:s26+$0x630]  }
0x180: {  	[tilespmem:s23+$0xC20] =	vst.add.f32.msk $0xffff, v5  }
0x181: {  	v5 =	vld [tilespmem:s30+$0xE30]  }
0x182: {  	[tilespmem:s22+$0x1420] =	vst.add.f32.msk $0xffff, v3  }
0x183: {  	v3 =	vld [tilespmem:s24+$0x1630]  }
0x184: {  	[tilespmem:s25+$0x430] =	vst.add.f32.msk $0xffff, v4  }
0x185: {  	v4 =	vld [tilespmem:s26+$0x640]  }
0x186: {  	[tilespmem:s23+$0xC30] =	vst.add.f32.msk $0xffff, v5  }
0x187: {  	v5 =	vld [tilespmem:s30+$0xE40]  }
0x188: {  	[tilespmem:s22+$0x1430] =	vst.add.f32.msk $0xffff, v3  }
0x189: {  	v3 =	vld [tilespmem:s24+$0x1640]  }
0x18a: {  	[tilespmem:s25+$0x440] =	vst.add.f32.msk $0xffff, v4  }
0x18b: {  	v4 =	vld [tilespmem:s26+$0x650]  }
0x18c: {  	[tilespmem:s23+$0xC40] =	vst.add.f32.msk $0xffff, v5  }
0x18d: {  	v5 =	vld [tilespmem:s30+$0xE50]  }
0x18e: {  	[tilespmem:s22+$0x1440] =	vst.add.f32.msk $0xffff, v3  }
0x18f: {  	v3 =	vld [tilespmem:s24+$0x1650]  }
0x190: {  	[tilespmem:s25+$0x450] =	vst.add.f32.msk $0xffff, v4  }
0x191: {  	v4 =	vld [tilespmem:s26+$0x660]  }
0x192: {  	[tilespmem:s23+$0xC50] =	vst.add.f32.msk $0xffff, v5  }
0x193: {  	v6 =	vld [tilespmem:s30+$0xE60]  }
0x194: {  	[tilespmem:s22+$0x1450] =	vst.add.f32.msk $0xffff, v3  }
0x195: {  	v3 =	vld [tilespmem:s24+$0x1660]  }
0x196: {  	s8 =	sadd.s32 s7, s28;
	[tilespmem:s25+$0x460] =	vst.add.f32.msk $0xffff, v4  }
.Ltmp0:
0x197: {  	s8 =	sshrl.u32 s8, $0x3;
	v5 =	vld [tilespmem:s26+$0x670];
	(pc) =	sbr.rel @p0 .LBB2_3-.Ltmp0, $4  }
0x198: {  	s8 =	smul.u32 $0x6000, s8;
	[tilespmem:s23+$0xC60] =	vst.add.f32.msk $0xffff, v6  }
0x199: {  	s31 =	sadd.s32 $0x80, s31;
	v4 =	vld [tilespmem:s30+$0xE70]  }
0x19a: {  	s10 =	sand.u32 $0x380, s31;
	s8 =	sshra.s32 s8, $0x2;
	[tilespmem:s22+$0x1460] =	vst.add.f32.msk $0xffff, v3  }
0x19b: {  	s7 =	sadd.s32 $0x1, s7;
	s8 =	sor.u32 s10, s8;
	v3 =	vld [tilespmem:s24+$0x1670];
	s24 =	smov.u32 s30  }
0x19c: {  	s7 =	sshrl.u32 s9, $0x3  }
0x19d: {  	v6 =	vld [tilespmem:s8+$0x200];
	s7 =	smul.u32 $0x6000, s7;
	_ =	sdelay $0x1  }
0x19e: {  	s7 =	sshra.s32 s7, $0x2  }
0x19f: {  	s7 =	sadd.s32 s7, s21  }
0x1a0: {  	s7 =	sadd.s32 s10, s7  }
0x1a1: {  	[tilespmem:s7+$0x0] =	vst.add.f32.msk $0xffff, v6  }
0x1a2: {  	v6 =	vld [tilespmem:s8+$0x210];
	_ =	sdelay $0x4  }
0x1a3: {  	[tilespmem:s7+$0x10] =	vst.add.f32.msk $0xffff, v6  }
0x1a4: {  	v6 =	vld [tilespmem:s8+$0x220];
	_ =	sdelay $0x4  }
0x1a5: {  	[tilespmem:s7+$0x20] =	vst.add.f32.msk $0xffff, v6  }
0x1a6: {  	v6 =	vld [tilespmem:s8+$0x230];
	_ =	sdelay $0x4  }
0x1a7: {  	[tilespmem:s7+$0x30] =	vst.add.f32.msk $0xffff, v6  }
0x1a8: {  	v6 =	vld [tilespmem:s8+$0x240];
	_ =	sdelay $0x4  }
0x1a9: {  	[tilespmem:s7+$0x40] =	vst.add.f32.msk $0xffff, v6  }
0x1aa: {  	v6 =	vld [tilespmem:s8+$0x250];
	_ =	sdelay $0x4  }
0x1ab: {  	[tilespmem:s7+$0x50] =	vst.add.f32.msk $0xffff, v6  }
0x1ac: {  	v6 =	vld [tilespmem:s8+$0x260];
	_ =	sdelay $0x4  }
0x1ad: {  	[tilespmem:s7+$0x60] =	vst.add.f32.msk $0xffff, v6  }
0x1ae: {  	v6 =	vld [tilespmem:s8+$0x270];
	_ =	sdelay $0x4  }
0x1af: {  	[tilespmem:s7+$0x70] =	vst.add.f32.msk $0xffff, v6  }
0x1b0: {  	v6 =	vld [tilespmem:s8+$0x600];
	_ =	sdelay $0x4  }
0x1b1: {  	[tilespmem:s7+$0x400] =	vst.add.f32.msk $0xffff, v6  }
0x1b2: {  	v6 =	vld [tilespmem:s8+$0x610];
	_ =	sdelay $0x4  }
0x1b3: {  	[tilespmem:s7+$0x410] =	vst.add.f32.msk $0xffff, v6  }
0x1b4: {  	v6 =	vld [tilespmem:s8+$0x620];
	_ =	sdelay $0x4  }
0x1b5: {  	[tilespmem:s7+$0x420] =	vst.add.f32.msk $0xffff, v6  }
0x1b6: {  	v6 =	vld [tilespmem:s8+$0x630];
	_ =	sdelay $0x4  }
0x1b7: {  	[tilespmem:s7+$0x430] =	vst.add.f32.msk $0xffff, v6  }
0x1b8: {  	v6 =	vld [tilespmem:s8+$0x640];
	_ =	sdelay $0x4  }
0x1b9: {  	[tilespmem:s7+$0x440] =	vst.add.f32.msk $0xffff, v6  }
0x1ba: {  	v6 =	vld [tilespmem:s8+$0x650];
	_ =	sdelay $0x4  }
0x1bb: {  	[tilespmem:s7+$0x450] =	vst.add.f32.msk $0xffff, v6  }
0x1bc: {  	v6 =	vld [tilespmem:s8+$0x660];
	_ =	sdelay $0x4  }
0x1bd: {  	[tilespmem:s7+$0x460] =	vst.add.f32.msk $0xffff, v6  }
0x1be: {  	v6 =	vld [tilespmem:s8+$0x670];
	_ =	sdelay $0x2  }
0x1bf: {  	[tilespmem:s25+$0x470] =	vst.add.f32.msk $0xffff, v5  }
0x1c0: {  	v5 =	vld [tilespmem:s26+$0xA00]  }
0x1c1: {  	[tilespmem:s7+$0x470] =	vst.add.f32.msk $0xffff, v6  }
0x1c2: {  	v6 =	vld [tilespmem:s8+$0xA00];
	_ =	sdelay $0x2  }
0x1c3: {  	[tilespmem:s25+$0x800] =	vst.add.f32.msk $0xffff, v5  }
0x1c4: {  	v5 =	vld [tilespmem:s26+$0xA10]  }
0x1c5: {  	[tilespmem:s7+$0x800] =	vst.add.f32.msk $0xffff, v6  }
0x1c6: {  	v6 =	vld [tilespmem:s8+$0xA10];
	_ =	sdelay $0x2  }
0x1c7: {  	[tilespmem:s25+$0x810] =	vst.add.f32.msk $0xffff, v5  }
0x1c8: {  	v5 =	vld [tilespmem:s26+$0xA20]  }
0x1c9: {  	[tilespmem:s7+$0x810] =	vst.add.f32.msk $0xffff, v6  }
0x1ca: {  	v6 =	vld [tilespmem:s8+$0xA20];
	_ =	sdelay $0x2  }
0x1cb: {  	[tilespmem:s25+$0x820] =	vst.add.f32.msk $0xffff, v5  }
0x1cc: {  	v5 =	vld [tilespmem:s26+$0xA30]  }
0x1cd: {  	[tilespmem:s7+$0x820] =	vst.add.f32.msk $0xffff, v6  }
0x1ce: {  	v6 =	vld [tilespmem:s8+$0xA30];
	_ =	sdelay $0x2  }
0x1cf: {  	[tilespmem:s25+$0x830] =	vst.add.f32.msk $0xffff, v5  }
0x1d0: {  	v5 =	vld [tilespmem:s26+$0xA40]  }
0x1d1: {  	[tilespmem:s7+$0x830] =	vst.add.f32.msk $0xffff, v6  }
0x1d2: {  	v6 =	vld [tilespmem:s8+$0xA40];
	_ =	sdelay $0x2  }
0x1d3: {  	[tilespmem:s25+$0x840] =	vst.add.f32.msk $0xffff, v5  }
0x1d4: {  	v5 =	vld [tilespmem:s26+$0xA50]  }
0x1d5: {  	[tilespmem:s7+$0x840] =	vst.add.f32.msk $0xffff, v6  }
0x1d6: {  	v6 =	vld [tilespmem:s8+$0xA50];
	_ =	sdelay $0x2  }
0x1d7: {  	[tilespmem:s25+$0x850] =	vst.add.f32.msk $0xffff, v5  }
0x1d8: {  	v5 =	vld [tilespmem:s26+$0xA60]  }
0x1d9: {  	[tilespmem:s7+$0x850] =	vst.add.f32.msk $0xffff, v6  }
0x1da: {  	v6 =	vld [tilespmem:s8+$0xA60];
	_ =	sdelay $0x2  }
0x1db: {  	[tilespmem:s25+$0x860] =	vst.add.f32.msk $0xffff, v5  }
0x1dc: {  	v5 =	vld [tilespmem:s26+$0xA70]  }
0x1dd: {  	[tilespmem:s7+$0x860] =	vst.add.f32.msk $0xffff, v6  }
0x1de: {  	v6 =	vld [tilespmem:s8+$0xA70];
	_ =	sdelay $0x2  }
0x1df: {  	[tilespmem:s25+$0x870] =	vst.add.f32.msk $0xffff, v5  }
0x1e0: {  	v5 =	vld [tilespmem:s26+$0xE00]  }
0x1e1: {  	[tilespmem:s7+$0x870] =	vst.add.f32.msk $0xffff, v6  }
0x1e2: {  	v6 =	vld [tilespmem:s8+$0xE00];
	_ =	sdelay $0x2  }
0x1e3: {  	[tilespmem:s25+$0xC00] =	vst.add.f32.msk $0xffff, v5  }
0x1e4: {  	v5 =	vld [tilespmem:s26+$0xE10]  }
0x1e5: {  	[tilespmem:s7+$0xC00] =	vst.add.f32.msk $0xffff, v6  }
0x1e6: {  	v6 =	vld [tilespmem:s8+$0xE10];
	_ =	sdelay $0x2  }
0x1e7: {  	[tilespmem:s25+$0xC10] =	vst.add.f32.msk $0xffff, v5  }
0x1e8: {  	v5 =	vld [tilespmem:s26+$0xE20]  }
0x1e9: {  	[tilespmem:s7+$0xC10] =	vst.add.f32.msk $0xffff, v6  }
0x1ea: {  	v6 =	vld [tilespmem:s8+$0xE20];
	_ =	sdelay $0x2  }
0x1eb: {  	[tilespmem:s25+$0xC20] =	vst.add.f32.msk $0xffff, v5  }
0x1ec: {  	v5 =	vld [tilespmem:s26+$0xE30]  }
0x1ed: {  	[tilespmem:s7+$0xC20] =	vst.add.f32.msk $0xffff, v6  }
0x1ee: {  	v6 =	vld [tilespmem:s8+$0xE30];
	_ =	sdelay $0x2  }
0x1ef: {  	[tilespmem:s25+$0xC30] =	vst.add.f32.msk $0xffff, v5  }
0x1f0: {  	v5 =	vld [tilespmem:s26+$0xE40]  }
0x1f1: {  	[tilespmem:s7+$0xC30] =	vst.add.f32.msk $0xffff, v6  }
0x1f2: {  	v6 =	vld [tilespmem:s8+$0xE40];
	_ =	sdelay $0x2  }
0x1f3: {  	[tilespmem:s25+$0xC40] =	vst.add.f32.msk $0xffff, v5  }
0x1f4: {  	v5 =	vld [tilespmem:s26+$0xE50]  }
0x1f5: {  	[tilespmem:s7+$0xC40] =	vst.add.f32.msk $0xffff, v6  }
0x1f6: {  	v6 =	vld [tilespmem:s8+$0xE50];
	_ =	sdelay $0x2  }
0x1f7: {  	[tilespmem:s25+$0xC50] =	vst.add.f32.msk $0xffff, v5  }
0x1f8: {  	v5 =	vld [tilespmem:s26+$0xE60]  }
0x1f9: {  	[tilespmem:s7+$0xC50] =	vst.add.f32.msk $0xffff, v6  }
0x1fa: {  	v6 =	vld [tilespmem:s8+$0xE60];
	_ =	sdelay $0x2  }
0x1fb: {  	[tilespmem:s25+$0xC60] =	vst.add.f32.msk $0xffff, v5  }
0x1fc: {  	v5 =	vld [tilespmem:s26+$0xE70]  }
0x1fd: {  	[tilespmem:s7+$0xC60] =	vst.add.f32.msk $0xffff, v6  }
0x1fe: {  	v6 =	vld [tilespmem:s8+$0xE70]  }
0x1ff: {  	[tilespmem:s23+$0xC70] =	vst.add.f32.msk $0xffff, v4  }
0x200: {  	v4 =	vld [tilespmem:s24+$0x1200]  }
0x201: {  	[tilespmem:s25+$0xC70] =	vst.add.f32.msk $0xffff, v5  }
0x202: {  	v5 =	vld [tilespmem:s26+$0x1200]  }
0x203: {  	[tilespmem:s7+$0xC70] =	vst.add.f32.msk $0xffff, v6  }
0x204: {  	v6 =	vld [tilespmem:s8+$0x1200]  }
0x205: {  	[tilespmem:s23+$0x1000] =	vst.add.f32.msk $0xffff, v4  }
0x206: {  	v4 =	vld [tilespmem:s24+$0x1210]  }
0x207: {  	[tilespmem:s25+$0x1000] =	vst.add.f32.msk $0xffff, v5  }
0x208: {  	v5 =	vld [tilespmem:s26+$0x1210]  }
0x209: {  	[tilespmem:s7+$0x1000] =	vst.add.f32.msk $0xffff, v6  }
0x20a: {  	v6 =	vld [tilespmem:s8+$0x1210]  }
0x20b: {  	[tilespmem:s23+$0x1010] =	vst.add.f32.msk $0xffff, v4  }
0x20c: {  	v4 =	vld [tilespmem:s24+$0x1220]  }
0x20d: {  	[tilespmem:s25+$0x1010] =	vst.add.f32.msk $0xffff, v5  }
0x20e: {  	v5 =	vld [tilespmem:s26+$0x1220]  }
0x20f: {  	[tilespmem:s7+$0x1010] =	vst.add.f32.msk $0xffff, v6  }
0x210: {  	v6 =	vld [tilespmem:s8+$0x1220]  }
0x211: {  	[tilespmem:s23+$0x1020] =	vst.add.f32.msk $0xffff, v4  }
0x212: {  	v4 =	vld [tilespmem:s24+$0x1230]  }
0x213: {  	[tilespmem:s25+$0x1020] =	vst.add.f32.msk $0xffff, v5  }
0x214: {  	v5 =	vld [tilespmem:s26+$0x1230]  }
0x215: {  	[tilespmem:s7+$0x1020] =	vst.add.f32.msk $0xffff, v6  }
0x216: {  	v6 =	vld [tilespmem:s8+$0x1230]  }
0x217: {  	[tilespmem:s23+$0x1030] =	vst.add.f32.msk $0xffff, v4  }
0x218: {  	v4 =	vld [tilespmem:s24+$0x1240]  }
0x219: {  	[tilespmem:s25+$0x1030] =	vst.add.f32.msk $0xffff, v5  }
0x21a: {  	v5 =	vld [tilespmem:s26+$0x1240]  }
0x21b: {  	[tilespmem:s7+$0x1030] =	vst.add.f32.msk $0xffff, v6  }
0x21c: {  	v6 =	vld [tilespmem:s8+$0x1240]  }
0x21d: {  	[tilespmem:s23+$0x1040] =	vst.add.f32.msk $0xffff, v4  }
0x21e: {  	v4 =	vld [tilespmem:s24+$0x1250]  }
0x21f: {  	[tilespmem:s25+$0x1040] =	vst.add.f32.msk $0xffff, v5  }
0x220: {  	v5 =	vld [tilespmem:s26+$0x1250]  }
0x221: {  	[tilespmem:s7+$0x1040] =	vst.add.f32.msk $0xffff, v6  }
0x222: {  	v6 =	vld [tilespmem:s8+$0x1250]  }
0x223: {  	[tilespmem:s23+$0x1050] =	vst.add.f32.msk $0xffff, v4  }
0x224: {  	v4 =	vld [tilespmem:s24+$0x1260]  }
0x225: {  	[tilespmem:s25+$0x1050] =	vst.add.f32.msk $0xffff, v5  }
0x226: {  	v5 =	vld [tilespmem:s26+$0x1260]  }
0x227: {  	[tilespmem:s7+$0x1050] =	vst.add.f32.msk $0xffff, v6  }
0x228: {  	v6 =	vld [tilespmem:s8+$0x1260]  }
0x229: {  	[tilespmem:s23+$0x1060] =	vst.add.f32.msk $0xffff, v4  }
0x22a: {  	v4 =	vld [tilespmem:s24+$0x1270]  }
0x22b: {  	[tilespmem:s25+$0x1060] =	vst.add.f32.msk $0xffff, v5  }
0x22c: {  	v5 =	vld [tilespmem:s26+$0x1270]  }
0x22d: {  	[tilespmem:s7+$0x1060] =	vst.add.f32.msk $0xffff, v6  }
0x22e: {  	v6 =	vld [tilespmem:s8+$0x1270]  }
0x22f: {  	[tilespmem:s23+$0x1070] =	vst.add.f32.msk $0xffff, v4  }
0x230: {  	v4 =	vld [tilespmem:s24+$0x1600]  }
0x231: {  	[tilespmem:s25+$0x1070] =	vst.add.f32.msk $0xffff, v5  }
0x232: {  	v5 =	vld [tilespmem:s26+$0x1600]  }
0x233: {  	[tilespmem:s7+$0x1070] =	vst.add.f32.msk $0xffff, v6  }
0x234: {  	v6 =	vld [tilespmem:s8+$0x1600]  }
0x235: {  	[tilespmem:s23+$0x1400] =	vst.add.f32.msk $0xffff, v4  }
0x236: {  	v4 =	vld [tilespmem:s24+$0x1610]  }
0x237: {  	[tilespmem:s25+$0x1400] =	vst.add.f32.msk $0xffff, v5  }
0x238: {  	v5 =	vld [tilespmem:s26+$0x1610]  }
0x239: {  	[tilespmem:s7+$0x1400] =	vst.add.f32.msk $0xffff, v6  }
0x23a: {  	v6 =	vld [tilespmem:s8+$0x1610]  }
0x23b: {  	[tilespmem:s23+$0x1410] =	vst.add.f32.msk $0xffff, v4  }
0x23c: {  	v4 =	vld [tilespmem:s24+$0x1620]  }
0x23d: {  	[tilespmem:s25+$0x1410] =	vst.add.f32.msk $0xffff, v5  }
0x23e: {  	v5 =	vld [tilespmem:s26+$0x1620]  }
0x23f: {  	[tilespmem:s7+$0x1410] =	vst.add.f32.msk $0xffff, v6  }
0x240: {  	v6 =	vld [tilespmem:s8+$0x1620]  }
0x241: {  	[tilespmem:s23+$0x1420] =	vst.add.f32.msk $0xffff, v4  }
0x242: {  	v4 =	vld [tilespmem:s24+$0x1630]  }
0x243: {  	[tilespmem:s25+$0x1420] =	vst.add.f32.msk $0xffff, v5  }
0x244: {  	v5 =	vld [tilespmem:s26+$0x1630]  }
0x245: {  	[tilespmem:s7+$0x1420] =	vst.add.f32.msk $0xffff, v6  }
0x246: {  	v6 =	vld [tilespmem:s8+$0x1630]  }
0x247: {  	[tilespmem:s23+$0x1430] =	vst.add.f32.msk $0xffff, v4  }
0x248: {  	v4 =	vld [tilespmem:s24+$0x1640]  }
0x249: {  	[tilespmem:s25+$0x1430] =	vst.add.f32.msk $0xffff, v5  }
0x24a: {  	v5 =	vld [tilespmem:s26+$0x1640]  }
0x24b: {  	[tilespmem:s7+$0x1430] =	vst.add.f32.msk $0xffff, v6  }
0x24c: {  	v6 =	vld [tilespmem:s8+$0x1640]  }
0x24d: {  	[tilespmem:s23+$0x1440] =	vst.add.f32.msk $0xffff, v4  }
0x24e: {  	v4 =	vld [tilespmem:s24+$0x1650]  }
0x24f: {  	[tilespmem:s25+$0x1440] =	vst.add.f32.msk $0xffff, v5  }
0x250: {  	v5 =	vld [tilespmem:s26+$0x1650]  }
0x251: {  	[tilespmem:s7+$0x1440] =	vst.add.f32.msk $0xffff, v6  }
0x252: {  	v6 =	vld [tilespmem:s8+$0x1650]  }
0x253: {  	[tilespmem:s23+$0x1450] =	vst.add.f32.msk $0xffff, v4  }
0x254: {  	v4 =	vld [tilespmem:s24+$0x1660]  }
0x255: {  	[tilespmem:s25+$0x1450] =	vst.add.f32.msk $0xffff, v5  }
0x256: {  	v5 =	vld [tilespmem:s26+$0x1660]  }
0x257: {  	[tilespmem:s7+$0x1450] =	vst.add.f32.msk $0xffff, v6  }
0x258: {  	v6 =	vld [tilespmem:s8+$0x1660]  }
0x259: {  	[tilespmem:s23+$0x1460] =	vst.add.f32.msk $0xffff, v4  }
0x25a: {  	v4 =	vld [tilespmem:s24+$0x1670]  }
0x25b: {  	[tilespmem:s25+$0x1460] =	vst.add.f32.msk $0xffff, v5  }
0x25c: {  	s28 =	sor.u32 s5, s29;
	v5 =	vld [tilespmem:s26+$0x1670]  }
0x25d: {  	s30 =	sshrl.u32 s28, $0x3;
	[tilespmem:s7+$0x1460] =	vst.add.f32.msk $0xffff, v6  }
0x25e: {  	s9 =	smul.u32 $0x1800, s30;
	s26 =	sshrl.u32 s19, $0x2;
	s19 =	sadd.s32 $0x1, s19;
	v6 =	vld [tilespmem:s8+$0x1670]  }
0x25f: {  	s29 =	smul.u32 $0x180000, s26;
	p0 =	sne.s32 s19, $0x10  }
.Ltmp1:
0x260: {  	[tilespmem:s22+$0x1470] =	vst.add.f32.msk $0xffff, v3;
	(pc) =	sbr.rel @p0 .LBB2_2-.Ltmp1, $4  }
0x261: {  	[tilespmem:s23+$0x1470] =	vst.add.f32.msk $0xffff, v4;
	s8 =	sadd.s32 s29, s9  }
0x262: {  	[tilespmem:s25+$0x1470] =	vst.add.f32.msk $0xffff, v5;
	s8 =	sshrl.u32 s8, $0x3  }
0x263: {  	s31 =	sadd.s32 $0x6, s20;
	s17 =	sadd.s32 $0x1, s17;
	s8 =	sadd.s32 s3, s8;
	[tilespmem:s7+$0x1470] =	vst.add.f32.msk $0xffff, v6  }
0x264: {  	[hbm4b:s8+s4] =	stream.linear.scatter [tilespmem:s21], [sflag:s31], $0x3000, $0x38;
	[tilespmem:$0x18200] =	vst v63  }
0x265: {  	_ =	swait.ge [sflag:s2], $0x3000  }
0x266: {  	[sflag:s2] =	ssyncset.done $0x0  }
0x267: {  	[sflag:s2] =	ssyncadd.s32 $0xFFFFD000  }
0x268: {  	_ =	swait.ge [sflag:s0], $0x3000  }
0x269: {  	[sflag:s0] =	ssyncset.done $0x0  }
0x26a: {  	[sflag:s0] =	ssyncadd.s32 $0xFFFFD000  }
0x26b: {  	_ =	swait.ge [sflag:s14], $0x3000  }
0x26c: {  	[sflag:s14] =	ssyncset.done $0x0  }
0x26d: {  	[sflag:s14] =	ssyncadd.s32 $0xFFFFD000  }
0x26e: {  	_ =	swait.ge [sflag:s15], $0x3000  }
0x26f: {  	s16 =	sadd.s32 $0x1, s16;
	s7 =	rddreg [dreg:$0x9]  }
0x270: {  	p0 =	sne.s32 s16, s7  }
.Ltmp2:
0x271: {  	_ = 	snop;
	(pc) =	sbr.rel @p0 .LBB2_1-.Ltmp2, $3  }
0x272: {  	_ =	sdelay $0x1  }
0x273: {  	[sflag:s15] =	ssyncset.done $0x0  }
0x274: {  	[sflag:s15] =	ssyncadd.s32 $0xFFFFD000  }
0x275: {  	_ =	sfence.sel $0x180000  }
0x276: {  	[bflag:$0x0] =	sbarrier.arrive $0xFFFF  }
0x277: {  	_ =	strace $0x90000047  }
0x278: {  	s0 =	stileid.u32;
	[bflag:$0x2] =	sbarrier.arrive $0xFFFF  }
0x279: {  	p0 =	sne.s32 s0, $0x0;
	s0 =	rddreg [dreg:$0x4]  }
0x27a: {  	s0 =	sadd.s32 @!p0 $0x100000, s0  }
0x27b: {  	[sflag:s0] =	ssyncadd.tile.s32 @!p0 $0x1;
	_ =	shalt  }
.Lfunc_end2:
_tile_overlayer_lowered:
.L_overlay_start_2:
0x27c: {  	(tag) =	ssettag $0x2  }
0x27d: {  	s0 =	rddreg [dreg:$0x0];
	s2 =	stileid.u32  }
0x27e: {  	s1 =	rddreg [dreg:$0x1];
	p0 =	sne.s32 s2, $0x0  }
0x27f: {  	s3 =	rddreg [dreg:$0x2];
	[bflag:$0x3] =	sbarrier.arrive $0xFFFF;
	s2 =	simm.s32 @!p0 $0x1C0A  }
0x280: {  	[timem:s3], [sflag:s2] =	dma.local @!p0 [hbm:s0], s1  }
0x281: {  	s0 =	simm.s32 @!p0 $0xA  }
0x282: {  	_ =	swait.ge @!p0 [sflag:s0], s1  }
0x283: {  	s1 =	ssub.s32 @!p0 $0x0, s1;
	[sflag:s0] =	ssyncset.done @!p0 $0x0  }
0x284: {  	[sflag:s0] =	ssyncadd.s32 @!p0 s1  }
0x285: {  	[bflag:$0x3] =	sbarrier.arrive $0xFFFF  }
0x286: {  	_ =	shalt  }

</sc_bundles>
